<compile_context>
chip_gen: v7x
topology: tpu7x:2x2x1
jax: 0.10.2.dev20260603
libtpu: 0.0.44.dev20260713+nightly
codegen_flags: <defaults>
</compile_context>

<pallas_src>
import jax
import jax.numpy as jnp
from jax import lax
from jax.experimental import pallas as pl
from jax.experimental.pallas import tpu as pltpu
from jax.experimental.pallas import tpu_sc as plsc

N = 10000
E = 320000
H = 2
C = 64
HC = H * C
OUT2 = 64 // 3

NCORES = 2
NSUB = 16
NW = NCORES * NSUB
EPT = 10240
NFULL = E // EPT
ETAIL = E - NFULL * EPT

_SLOPE = 0.2


def _leaky(v):
    return jnp.where(v >= 0, v, _SLOPE * v)


MB = 4000


def _mean_body(a_ref, o_ref):
    s = jnp.sum(a_ref[...], axis=0)

    @pl.when(pl.program_id(0) == 0)
    def _():
        o_ref[0, 0] = 0.0
        o_ref[0, 1] = 0.0

    o_ref[0, 0] += s[0]
    o_ref[0, 1] += s[1]


def _attr_sums(edge_attr):
    return pl.pallas_call(
        _mean_body,
        grid=(E // MB,),
        out_shape=jax.ShapeDtypeStruct((1, 2), jnp.float32),
        in_specs=[pl.BlockSpec((MB, 2), lambda i: (i, 0))],
        out_specs=pl.BlockSpec(memory_space=pltpu.SMEM),
    )(edge_attr)


def _aself_body(m_ref, x_ref, ws_ref, ac_ref, o0_ref, o1_ref):
    inv_e = 1.0 / E
    m0 = m_ref[0, 0] * inv_e
    m1 = m_ref[0, 1] * inv_e
    xv = x_ref[...]
    ones = jnp.ones((N, 1), jnp.float32)
    v = jnp.concatenate([xv, ones, m0 * ones, m1 * ones], axis=1)
    pre = jax.lax.dot_general(
        v, ws_ref[...], (((1,), (0,)), ((), ())),
        preferred_element_type=jnp.float32)
    z = _leaky(pre)
    al = jax.lax.dot_general(
        z, ac_ref[...], (((1,), (0,)), ((), ())),
        preferred_element_type=jnp.float32)
    o0_ref[...] = al[:, 0:1]
    o1_ref[...] = al[:, 1:2]


def _aself(msum, x, wsmat, acols):
    return pl.pallas_call(
        _aself_body,
        out_shape=[jax.ShapeDtypeStruct((N, 1), jnp.float32)] * 2,
        in_specs=[
            pl.BlockSpec(memory_space=pltpu.SMEM),
            pl.BlockSpec((N, 1), lambda: (0, 0)),
            pl.BlockSpec((4, HC), lambda: (0, 0)),
            pl.BlockSpec((HC, 2), lambda: (0, 0)),
        ],
        out_specs=[pl.BlockSpec((N, 1), lambda: (0, 0))] * 2,
    )(msum, x, wsmat, acols)


def _gather_body(x_hbm, as0_hbm, as1_hbm, ei_hbm,
                 sj_hbm, si_hbm, g0_hbm, g1_hbm,
                 x_v, as0_v, as1_v, idx_v, o0_v, o1_v, o2_v):
    c = lax.axis_index("c")
    s = lax.axis_index("s")
    wid = s * NCORES + c
    base = wid * EPT
    pltpu.sync_copy(x_hbm, x_v)
    pltpu.sync_copy(as0_hbm, as0_v)
    pltpu.sync_copy(as1_hbm, as1_v)

    def _run(nedge):
        pltpu.sync_copy(ei_hbm.at[0, pl.ds(base, nedge)],
                        idx_v.at[pl.ds(0, nedge)])

        @plsc.parallel_loop(0, nedge // 16, 1, unroll=8)
        def _(i):
            off = pl.multiple_of(i * 16, 16)
            ids = idx_v[pl.ds(off, 16)]
            o0_v[pl.ds(off, 16)] = plsc.load_gather(x_v, [ids])

        pltpu.sync_copy(o0_v.at[pl.ds(0, nedge)],
                        sj_hbm.at[pl.ds(base, nedge)])
        pltpu.sync_copy(ei_hbm.at[1, pl.ds(base, nedge)],
                        idx_v.at[pl.ds(0, nedge)])

        @plsc.parallel_loop(0, nedge // 16, 1, unroll=8)
        def _(i):
            off = pl.multiple_of(i * 16, 16)
            ids = idx_v[pl.ds(off, 16)]
            o0_v[pl.ds(off, 16)] = plsc.load_gather(x_v, [ids])
            o1_v[pl.ds(off, 16)] = plsc.load_gather(as0_v, [ids])
            o2_v[pl.ds(off, 16)] = plsc.load_gather(as1_v, [ids])

        pltpu.sync_copy(o0_v.at[pl.ds(0, nedge)],
                        si_hbm.at[pl.ds(base, nedge)])
        pltpu.sync_copy(o1_v.at[pl.ds(0, nedge)],
                        g0_hbm.at[pl.ds(base, nedge)])
        pltpu.sync_copy(o2_v.at[pl.ds(0, nedge)],
                        g1_hbm.at[pl.ds(base, nedge)])

    @pl.when(wid < NFULL)
    def _():
        _run(EPT)

    @pl.when(wid == NFULL)
    def _():
        _run(ETAIL)


def _gather(x_flat, as0, as1, edge_index):
    mesh = plsc.VectorSubcoreMesh(
        core_axis_name="c", subcore_axis_name="s",
        num_cores=NCORES, num_subcores=NSUB)
    f = pl.kernel(
        _gather_body,
        out_type=tuple(jax.ShapeDtypeStruct((E,), jnp.float32)
                       for _ in range(4)),
        mesh=mesh,
        compiler_params=pltpu.CompilerParams(
            needs_layout_passes=False, use_tc_tiling_on_sc=False),
        scratch_types=[
            pltpu.VMEM((N,), jnp.float32),
            pltpu.VMEM((N,), jnp.float32),
            pltpu.VMEM((N,), jnp.float32),
            pltpu.VMEM((EPT,), jnp.int32),
            pltpu.VMEM((EPT,), jnp.float32),
            pltpu.VMEM((EPT,), jnp.float32),
            pltpu.VMEM((EPT,), jnp.float32),
        ],
    )
    return f(x_flat, as0, as1, edge_index)


BE = 4096


def _edge_body(w_ref, a_ref, sj_ref, si_ref, g0_ref, g1_ref, ea_ref,
               o0_ref, o1_ref):
    sj = sj_ref[...]
    si = si_ref[...]
    ea = ea_ref[...]
    ones = jnp.ones((BE, 1), jnp.float32)
    zeros = jnp.zeros((BE, 3), jnp.float32)
    v = jnp.concatenate([sj, si, ea, ones, zeros], axis=1)
    pre = jax.lax.dot_general(
        v, w_ref[...], (((1,), (0,)), ((), ())),
        preferred_element_type=jnp.float32)
    z = _leaky(pre)
    al = jax.lax.dot_general(
        z, a_ref[...], (((1,), (0,)), ((), ())),
        preferred_element_type=jnp.float32)
    o0_ref[...] = jnp.exp(al[:, 0:1] - g0_ref[...])
    o1_ref[...] = jnp.exp(al[:, 1:2] - g1_ref[...])


def _edge_vals(wmat, acols, sj, si, g0, g1, edge_attr):
    col = pl.BlockSpec((BE, 1), lambda i: (i, 0))
    return pl.pallas_call(
        _edge_body,
        grid=(pl.cdiv(E, BE),),
        out_shape=[jax.ShapeDtypeStruct((E, 1), jnp.float32)] * 2,
        in_specs=[
            pl.BlockSpec((8, HC), lambda i: (0, 0)),
            pl.BlockSpec((HC, 2), lambda i: (0, 0)),
            col, col, col, col,
            pl.BlockSpec((BE, 2), lambda i: (i, 0)),
        ],
        out_specs=[col] * 2,
    )(wmat, acols, sj, si, g0, g1, edge_attr)




def _scatter_body(ei_hbm, p0_hbm, p1_hbm, sj_hbm, out_hbm,
                  idx_v, v0_v, v1_v, sj_v, acc_v):
    c = lax.axis_index("c")
    s = lax.axis_index("s")
    wid = s * NCORES + c
    base = wid * EPT

    @plsc.parallel_loop(0, (4 * N) // 16, 1, unroll=8)
    def _(i):
        off = pl.multiple_of(i * 16, 16)
        acc_v[pl.ds(off, 16)] = jnp.zeros((16,), jnp.float32)

    def _run(nedge):
        pltpu.sync_copy(ei_hbm.at[1, pl.ds(base, nedge)],
                        idx_v.at[pl.ds(0, nedge)])
        pltpu.sync_copy(p0_hbm.at[pl.ds(base, nedge)],
                        v0_v.at[pl.ds(0, nedge)])
        pltpu.sync_copy(p1_hbm.at[pl.ds(base, nedge)],
                        v1_v.at[pl.ds(0, nedge)])
        pltpu.sync_copy(sj_hbm.at[pl.ds(base, nedge)],
                        sj_v.at[pl.ds(0, nedge)])

        @plsc.parallel_loop(0, nedge // 16, 1, unroll=4)
        def _(i):
            off = pl.multiple_of(i * 16, 16)
            ids = idx_v[pl.ds(off, 16)]
            p0 = v0_v[pl.ds(off, 16)]
            p1 = v1_v[pl.ds(off, 16)]
            sjv = sj_v[pl.ds(off, 16)]
            plsc.addupdate_scatter(acc_v, [ids], p0)
            plsc.addupdate_scatter(acc_v, [ids + N], p1)
            plsc.addupdate_scatter(acc_v, [ids + 2 * N], p0 * sjv)
            plsc.addupdate_scatter(acc_v, [ids + 3 * N], p1 * sjv)

    @pl.when(wid < NFULL)
    def _():
        _run(EPT)

    @pl.when(wid == NFULL)
    def _():
        _run(ETAIL)

    pltpu.sync_copy(acc_v, out_hbm.at[wid])


def _scatter(edge_index, p0, p1, sj):
    mesh = plsc.VectorSubcoreMesh(
        core_axis_name="c", subcore_axis_name="s",
        num_cores=NCORES, num_subcores=NSUB)
    f = pl.kernel(
        _scatter_body,
        out_type=jax.ShapeDtypeStruct((NW, 4 * N), jnp.float32),
        mesh=mesh,
        compiler_params=pltpu.CompilerParams(
            needs_layout_passes=False, use_tc_tiling_on_sc=False),
        scratch_types=[
            pltpu.VMEM((EPT,), jnp.int32),
            pltpu.VMEM((EPT,), jnp.float32),
            pltpu.VMEM((EPT,), jnp.float32),
            pltpu.VMEM((EPT,), jnp.float32),
            pltpu.VMEM((4 * N,), jnp.float32),
        ],
    )
    return f(edge_index, p0, p1, sj)


def _final_body(acc_ref, x_ref, u1_ref, cv_ref, o_ref):
    a = acc_ref[0]
    for t in range(1, NW):
        a = a + acc_ref[t]
    den = a[0:2, :] + 1.0
    num = a[2:4, :] + x_ref[...]
    s1 = num / den
    u = u1_ref[...]
    d = jax.lax.dot_general(s1, u, (((0,), (0,)), ((), ())),
                            preferred_element_type=jnp.float32)
    o_ref[...] = d + cv_ref[...]


def _final(acc, xrow, u1, cvec):
    return pl.pallas_call(
        _final_body,
        out_shape=jax.ShapeDtypeStruct((N, OUT2), jnp.float32),
        in_specs=[
            pl.BlockSpec((NW, 4, N), lambda: (0, 0, 0)),
            pl.BlockSpec((1, N), lambda: (0, 0)),
            pl.BlockSpec((2, OUT2), lambda: (0, 0)),
            pl.BlockSpec((1, OUT2), lambda: (0, 0)),
        ],
        out_specs=pl.BlockSpec((N, OUT2), lambda: (0, 0)),
    )(acc, xrow, u1, cvec)


def kernel(x, edge_index, edge_attr, W_l, b_l, W_r, b_r, W_e, att, bias, W2, b2):
    ei = edge_index.astype(jnp.int32)

    wl = W_l[0]
    wr = W_r[0]
    blr = b_l + b_r
    attv = att.reshape(HC)
    z128 = jnp.zeros((HC,), jnp.float32)
    wmat = jnp.stack([wl, wr, W_e[0], W_e[1], blr, z128, z128, z128])
    wsmat = jnp.stack([wl + wr, blr, W_e[0], W_e[1]])
    hmask = (jnp.arange(HC) < C).astype(jnp.float32)
    acols = jnp.stack([attv * hmask, attv * (1.0 - hmask)], axis=1)
    u1 = jnp.einsum("hc,hco->ho", W_l.reshape(H, C), W2.reshape(H, C, OUT2))
    cvec = ((b_l + bias) @ W2 + b2)[None, :]

    msum = _attr_sums(edge_attr)
    as0, as1 = _aself(msum, x, wsmat, acols)
    sj, si, g0, g1 = _gather(x.reshape(N), as0.reshape(N), as1.reshape(N), ei)
    p0, p1 = _edge_vals(wmat, acols, sj[:, None], si[:, None],
                        g0[:, None], g1[:, None], edge_attr)
    acc = _scatter(ei, p0.reshape(E), p1.reshape(E), sj)
    d = _final(acc.reshape(NW, 4, N), x.reshape(1, N), u1, cvec)
    return d.reshape(1, N * OUT2)

# --- scband reference (transcript-rebuilt; emitter-appended) ---
"""Pipeline reference for scband-graph-embeddings-44942537786134 (READ-ONLY COPY).

The authoritative reference and input builder live on the scoring server;
editing this copy changes nothing except your own understanding.
"""

import jax, jax.numpy as jnp
import numpy as np

N = 10000
E = 320000
H = 2
C = 64
ED = 2
HC = H * C
OUT2 = 64 // 3

def setup_inputs(seed: int = 0):
    key = jax.random.key(seed)
    ks = jax.random.split(key, 10)
    x = jax.random.normal(ks[0], (N, 1), dtype=jnp.float32)
    edge_index = jax.random.randint(ks[1], (2, E), 0, N)
    edge_attr = jax.random.normal(ks[2], (E, ED), dtype=jnp.float32)
    W_l = jax.random.normal(ks[3], (1, HC), dtype=jnp.float32) * 0.1
    b_l = jnp.zeros((HC,), dtype=jnp.float32)
    W_r = jax.random.normal(ks[4], (1, HC), dtype=jnp.float32) * 0.1
    b_r = jnp.zeros((HC,), dtype=jnp.float32)
    W_e = jax.random.normal(ks[5], (ED, HC), dtype=jnp.float32) * 0.1
    att = jax.random.normal(ks[6], (H, C), dtype=jnp.float32) * 0.1
    bias = jnp.zeros((HC,), dtype=jnp.float32)
    W2 = jax.random.normal(ks[7], (HC, OUT2), dtype=jnp.float32) * 0.1
    b2 = jnp.zeros((OUT2,), dtype=jnp.float32)
    return {"x": x, "edge_index": edge_index, "edge_attr": edge_attr,
            "W_l": W_l, "b_l": b_l, "W_r": W_r, "b_r": b_r,
            "W_e": W_e, "att": att, "bias": bias, "W2": W2, "b2": b2}

def reference(x, edge_index, edge_attr, W_l, b_l, W_r, b_r, W_e, att, bias, W2, b2):
    # GATv2Conv(in=1, out=C, heads=H, concat=True, edge_dim=2, add_self_loops=True, fill_value='mean')
    src = edge_index[0]
    dst = edge_index[1]
    loop = jnp.arange(N, dtype=src.dtype)
    src = jnp.concatenate([src, loop])
    dst = jnp.concatenate([dst, loop])
    mean_attr = jnp.mean(edge_attr, axis=0, keepdims=True)
    ea = jnp.concatenate([edge_attr, jnp.broadcast_to(mean_attr, (N, ED))], axis=0)
    x_l = (x @ W_l + b_l).reshape(N, H, C)
    x_r = (x @ W_r + b_r).reshape(N, H, C)
    xj = x_l[src]
    xi = x_r[dst]
    e = (ea @ W_e).reshape(-1, H, C)
    z = jax.nn.leaky_relu(xj + xi + e, negative_slope=0.2)
    alpha = jnp.sum(z * att[None, :, :], axis=-1)
    amax = jax.ops.segment_max(alpha, dst, num_segments=N)
    alpha = jnp.exp(alpha - amax[dst])
    denom = jax.ops.segment_sum(alpha, dst, num_segments=N)
    alpha = alpha / (denom[dst] + 1e-16)
    msg = xj * alpha[:, :, None]
    out = jax.ops.segment_sum(msg, dst, num_segments=N).reshape(N, HC) + bias
    # fresh Linear(HC, embedding_size//3) applied in forward, then flatten + unsqueeze(0)
    d = out @ W2 + b2
    return d.reshape(1, -1)

if __name__ == "__main__":
    import jax
    _d = setup_inputs()
    print(jax.jit(kernel)(*tuple(_d.values())))

</pallas_src>

<mosaic_0001>
#map = affine_map<(d0, d1) -> (0, 0)>
#map1 = affine_map<(d0, d1) -> (0)>
module attributes {stable_mosaic.version = 14 : i64} {
  func.func @_scatter_body(%arg0: i32, %arg1: i32, %arg2: memref<2x320000xi32, #tpu.memory_space<hbm>>, %arg3: memref<320000xf32, #tpu.memory_space<hbm>>, %arg4: memref<320000xf32, #tpu.memory_space<hbm>>, %arg5: memref<320000xf32, #tpu.memory_space<hbm>>, %arg6: memref<32x40000xf32, #tpu.memory_space<hbm>>, %arg7: memref<10240xi32, #tpu.memory_space<vmem>>, %arg8: memref<10240xf32, #tpu.memory_space<vmem>>, %arg9: memref<10240xf32, #tpu.memory_space<vmem>>, %arg10: memref<10240xf32, #tpu.memory_space<vmem>>, %arg11: memref<40000xf32, #tpu.memory_space<vmem>>) attributes {dimension_semantics = [#tpu.dimension_semantics<core_parallel>, #tpu.dimension_semantics<subcore_parallel>], iteration_bounds = array<i64: 2, 16>, scalar_prefetch = 0 : i64, scratch_operands = 5 : i64, tpu.core_type = #tpu.core_type<sc_vector_subcore>, window_params = [{transform_indices = #map}, {transform_indices = #map1}, {transform_indices = #map1}, {transform_indices = #map1}, {transform_indices = #map}]} {
    %mul3A = arith.constant 2 : i32
    %mul3A_0 = arith.muli %arg1, %mul3A : i32
    %add3A = arith.addi %mul3A_0, %arg0 : i32
    %mul3A_1 = arith.constant 10240 : i32
    %mul3A_2 = arith.muli %add3A, %mul3A_1 : i32
    %parallel_loop3A = arith.constant 0 : i32
    %parallel_loop3A_3 = arith.constant 2500 : i32
    %parallel_loop3A_4 = arith.constant 1 : i32
    scf.for %parallel_loop3A_11 = %parallel_loop3A to %parallel_loop3A_3 step %parallel_loop3A_4  : i32 {
      %parallel_loop3A_12 = arith.constant 16 : i32
      %parallel_loop3A_13 = arith.muli %parallel_loop3A_11, %parallel_loop3A_12 : i32
      %parallel_loop3A_14 = tpu.assume_multiple %parallel_loop3A_13, 16 : i32
      %parallel_loop3A_15 = arith.constant 0.000000e+00 : f32
      %parallel_loop3A_16 = vector.broadcast %parallel_loop3A_15 : f32 to vector<16xf32>
      %parallel_loop3A_17 = arith.index_cast %parallel_loop3A_14 : i32 to index
      %parallel_loop3A_18 = tpu.vector_load %arg11[%parallel_loop3A_17] {strides = array<i32>} : memref<40000xf32, #tpu.memory_space<vmem>>, vector<16xf32>,
      tpu.vector_store %arg11[%parallel_loop3A_17], %parallel_loop3A_16 {strides = array<i32>} : memref<40000xf32, #tpu.memory_space<vmem>>, vector<16xf32>,
    } {sc.loop_unroll_factor = 8 : i64, sc.parallel_access}
    %lt3A = arith.constant 31 : i32
    %lt3A_5 = arith.cmpi slt, %add3A, %lt3A : i32
    %convert_element_type3A = arith.extui %lt3A_5 : i1 to i32
    %cond3A = arith.constant 0 : i32
    %cond3A_6 = arith.cmpi ne, %convert_element_type3A, %cond3A : i32
    scf.if %cond3A_6 {
      %run_scoped3A = arith.constant 1 : i32
      "tpu.region"() ({
        %run_scoped3A_14 = tpu.sem_alloc : memref<!tpu.dma_semaphore, #tpu.memory_space<semaphore_mem>>
        %dma_start3A = arith.constant 0 : i32
        %dma_start3A_15 = tpu.memref_slice %arg7[%dma_start3A] : memref<10240xi32, #tpu.memory_space<vmem>> -> memref<10240xi32, #tpu.memory_space<vmem>>
        %dma_start3A_16 = tpu.memref_slice %arg2[%run_scoped3A, %mul3A_2] : memref<2x320000xi32, #tpu.memory_space<hbm>> -> memref<1x10240xi32, #tpu.memory_space<hbm>>
        %dma_start3A_17 = tpu.memref_squeeze %dma_start3A_16 : memref<1x10240xi32, #tpu.memory_space<hbm>> -> memref<10240xi32, #tpu.memory_space<hbm>>
        %dma_start3A_18 = arith.constant 0 : i32
        %dma_start3A_19 = tpu.memref_slice %arg7[%dma_start3A_18] : memref<10240xi32, #tpu.memory_space<vmem>> -> memref<10240xi32, #tpu.memory_space<vmem>>
        %dma_start3A_20 = tpu.memref_slice %arg2[%run_scoped3A, %mul3A_2] : memref<2x320000xi32, #tpu.memory_space<hbm>> -> memref<1x10240xi32, #tpu.memory_space<hbm>>
        %dma_start3A_21 = tpu.memref_squeeze %dma_start3A_20 : memref<1x10240xi32, #tpu.memory_space<hbm>> -> memref<10240xi32, #tpu.memory_space<hbm>>
        tpu.enqueue_dma source(%dma_start3A_21 : memref<10240xi32, #tpu.memory_space<hbm>>) target(%dma_start3A_19 : memref<10240xi32, #tpu.memory_space<vmem>>) target_semaphore(%run_scoped3A_14 : memref<!tpu.dma_semaphore, #tpu.memory_space<semaphore_mem>>)
        %dma_wait3A = arith.constant 0 : i32
        %dma_wait3A_22 = tpu.memref_slice %arg7[%dma_wait3A] : memref<10240xi32, #tpu.memory_space<vmem>> -> memref<10240xi32, #tpu.memory_space<vmem>>
        %dma_wait3A_23 = tpu.memref_slice %arg2[%run_scoped3A, %mul3A_2] : memref<2x320000xi32, #tpu.memory_space<hbm>> -> memref<1x10240xi32, #tpu.memory_space<hbm>>
        %dma_wait3A_24 = tpu.memref_squeeze %dma_wait3A_23 : memref<1x10240xi32, #tpu.memory_space<hbm>> -> memref<10240xi32, #tpu.memory_space<hbm>>
        %dma_wait3A_25 = arith.constant 0 : i32
        %dma_wait3A_26 = tpu.memref_slice %arg7[%dma_wait3A_25] : memref<10240xi32, #tpu.memory_space<vmem>> -> memref<10240xi32, #tpu.memory_space<vmem>>
        %dma_wait3A_27 = tpu.memref_slice %arg2[%run_scoped3A, %mul3A_2] : memref<2x320000xi32, #tpu.memory_space<hbm>> -> memref<1x10240xi32, #tpu.memory_space<hbm>>
        %dma_wait3A_28 = tpu.memref_squeeze %dma_wait3A_27 : memref<1x10240xi32, #tpu.memory_space<hbm>> -> memref<10240xi32, #tpu.memory_space<hbm>>
        tpu.wait_dma2 semaphore(%run_scoped3A_14 : memref<!tpu.dma_semaphore, #tpu.memory_space<semaphore_mem>>) src(%dma_wait3A_28 : memref<10240xi32, #tpu.memory_space<hbm>>) dst(%dma_wait3A_26 : memref<10240xi32, #tpu.memory_space<vmem>>)
        tpu.yield
      }) : () -> ()
      "tpu.region"() ({
        %run_scoped3A_14 = tpu.sem_alloc : memref<!tpu.dma_semaphore, #tpu.memory_space<semaphore_mem>>
        %dma_start3A = arith.constant 0 : i32
        %dma_start3A_15 = tpu.memref_slice %arg8[%dma_start3A] : memref<10240xf32, #tpu.memory_space<vmem>> -> memref<10240xf32, #tpu.memory_space<vmem>>
        %dma_start3A_16 = tpu.memref_slice %arg3[%mul3A_2] : memref<320000xf32, #tpu.memory_space<hbm>> -> memref<10240xf32, #tpu.memory_space<hbm>>
        %dma_start3A_17 = arith.constant 0 : i32
        %dma_start3A_18 = tpu.memref_slice %arg8[%dma_start3A_17] : memref<10240xf32, #tpu.memory_space<vmem>> -> memref<10240xf32, #tpu.memory_space<vmem>>
        %dma_start3A_19 = tpu.memref_slice %arg3[%mul3A_2] : memref<320000xf32, #tpu.memory_space<hbm>> -> memref<10240xf32, #tpu.memory_space<hbm>>
        tpu.enqueue_dma source(%dma_start3A_19 : memref<10240xf32, #tpu.memory_space<hbm>>) target(%dma_start3A_18 : memref<10240xf32, #tpu.memory_space<vmem>>) target_semaphore(%run_scoped3A_14 : memref<!tpu.dma_semaphore, #tpu.memory_space<semaphore_mem>>)
        %dma_wait3A = arith.constant 0 : i32
        %dma_wait3A_20 = tpu.memref_slice %arg8[%dma_wait3A] : memref<10240xf32, #tpu.memory_space<vmem>> -> memref<10240xf32, #tpu.memory_space<vmem>>
        %dma_wait3A_21 = tpu.memref_slice %arg3[%mul3A_2] : memref<320000xf32, #tpu.memory_space<hbm>> -> memref<10240xf32, #tpu.memory_space<hbm>>
        %dma_wait3A_22 = arith.constant 0 : i32
        %dma_wait3A_23 = tpu.memref_slice %arg8[%dma_wait3A_22] : memref<10240xf32, #tpu.memory_space<vmem>> -> memref<10240xf32, #tpu.memory_space<vmem>>
        %dma_wait3A_24 = tpu.memref_slice %arg3[%mul3A_2] : memref<320000xf32, #tpu.memory_space<hbm>> -> memref<10240xf32, #tpu.memory_space<hbm>>
        tpu.wait_dma2 semaphore(%run_scoped3A_14 : memref<!tpu.dma_semaphore, #tpu.memory_space<semaphore_mem>>) src(%dma_wait3A_24 : memref<10240xf32, #tpu.memory_space<hbm>>) dst(%dma_wait3A_23 : memref<10240xf32, #tpu.memory_space<vmem>>)
        tpu.yield
      }) : () -> ()
      "tpu.region"() ({
        %run_scoped3A_14 = tpu.sem_alloc : memref<!tpu.dma_semaphore, #tpu.memory_space<semaphore_mem>>
        %dma_start3A = arith.constant 0 : i32
        %dma_start3A_15 = tpu.memref_slice %arg9[%dma_start3A] : memref<10240xf32, #tpu.memory_space<vmem>> -> memref<10240xf32, #tpu.memory_space<vmem>>
        %dma_start3A_16 = tpu.memref_slice %arg4[%mul3A_2] : memref<320000xf32, #tpu.memory_space<hbm>> -> memref<10240xf32, #tpu.memory_space<hbm>>
        %dma_start3A_17 = arith.constant 0 : i32
        %dma_start3A_18 = tpu.memref_slice %arg9[%dma_start3A_17] : memref<10240xf32, #tpu.memory_space<vmem>> -> memref<10240xf32, #tpu.memory_space<vmem>>
        %dma_start3A_19 = tpu.memref_slice %arg4[%mul3A_2] : memref<320000xf32, #tpu.memory_space<hbm>> -> memref<10240xf32, #tpu.memory_space<hbm>>
        tpu.enqueue_dma source(%dma_start3A_19 : memref<10240xf32, #tpu.memory_space<hbm>>) target(%dma_start3A_18 : memref<10240xf32, #tpu.memory_space<vmem>>) target_semaphore(%run_scoped3A_14 : memref<!tpu.dma_semaphore, #tpu.memory_space<semaphore_mem>>)
        %dma_wait3A = arith.constant 0 : i32
        %dma_wait3A_20 = tpu.memref_slice %arg9[%dma_wait3A] : memref<10240xf32, #tpu.memory_space<vmem>> -> memref<10240xf32, #tpu.memory_space<vmem>>
        %dma_wait3A_21 = tpu.memref_slice %arg4[%mul3A_2] : memref<320000xf32, #tpu.memory_space<hbm>> -> memref<10240xf32, #tpu.memory_space<hbm>>
        %dma_wait3A_22 = arith.constant 0 : i32
        %dma_wait3A_23 = tpu.memref_slice %arg9[%dma_wait3A_22] : memref<10240xf32, #tpu.memory_space<vmem>> -> memref<10240xf32, #tpu.memory_space<vmem>>
        %dma_wait3A_24 = tpu.memref_slice %arg4[%mul3A_2] : memref<320000xf32, #tpu.memory_space<hbm>> -> memref<10240xf32, #tpu.memory_space<hbm>>
        tpu.wait_dma2 semaphore(%run_scoped3A_14 : memref<!tpu.dma_semaphore, #tpu.memory_space<semaphore_mem>>) src(%dma_wait3A_24 : memref<10240xf32, #tpu.memory_space<hbm>>) dst(%dma_wait3A_23 : memref<10240xf32, #tpu.memory_space<vmem>>)
        tpu.yield
      }) : () -> ()
      "tpu.region"() ({
        %run_scoped3A_14 = tpu.sem_alloc : memref<!tpu.dma_semaphore, #tpu.memory_space<semaphore_mem>>
        %dma_start3A = arith.constant 0 : i32
        %dma_start3A_15 = tpu.memref_slice %arg10[%dma_start3A] : memref<10240xf32, #tpu.memory_space<vmem>> -> memref<10240xf32, #tpu.memory_space<vmem>>
        %dma_start3A_16 = tpu.memref_slice %arg5[%mul3A_2] : memref<320000xf32, #tpu.memory_space<hbm>> -> memref<10240xf32, #tpu.memory_space<hbm>>
        %dma_start3A_17 = arith.constant 0 : i32
        %dma_start3A_18 = tpu.memref_slice %arg10[%dma_start3A_17] : memref<10240xf32, #tpu.memory_space<vmem>> -> memref<10240xf32, #tpu.memory_space<vmem>>
        %dma_start3A_19 = tpu.memref_slice %arg5[%mul3A_2] : memref<320000xf32, #tpu.memory_space<hbm>> -> memref<10240xf32, #tpu.memory_space<hbm>>
        tpu.enqueue_dma source(%dma_start3A_19 : memref<10240xf32, #tpu.memory_space<hbm>>) target(%dma_start3A_18 : memref<10240xf32, #tpu.memory_space<vmem>>) target_semaphore(%run_scoped3A_14 : memref<!tpu.dma_semaphore, #tpu.memory_space<semaphore_mem>>)
        %dma_wait3A = arith.constant 0 : i32
        %dma_wait3A_20 = tpu.memref_slice %arg10[%dma_wait3A] : memref<10240xf32, #tpu.memory_space<vmem>> -> memref<10240xf32, #tpu.memory_space<vmem>>
        %dma_wait3A_21 = tpu.memref_slice %arg5[%mul3A_2] : memref<320000xf32, #tpu.memory_space<hbm>> -> memref<10240xf32, #tpu.memory_space<hbm>>
        %dma_wait3A_22 = arith.constant 0 : i32
        %dma_wait3A_23 = tpu.memref_slice %arg10[%dma_wait3A_22] : memref<10240xf32, #tpu.memory_space<vmem>> -> memref<10240xf32, #tpu.memory_space<vmem>>
        %dma_wait3A_24 = tpu.memref_slice %arg5[%mul3A_2] : memref<320000xf32, #tpu.memory_space<hbm>> -> memref<10240xf32, #tpu.memory_space<hbm>>
        tpu.wait_dma2 semaphore(%run_scoped3A_14 : memref<!tpu.dma_semaphore, #tpu.memory_space<semaphore_mem>>) src(%dma_wait3A_24 : memref<10240xf32, #tpu.memory_space<hbm>>) dst(%dma_wait3A_23 : memref<10240xf32, #tpu.memory_space<vmem>>)
        tpu.yield
      }) : () -> ()
      %parallel_loop3A_11 = arith.constant 0 : i32
      %parallel_loop3A_12 = arith.constant 640 : i32
      %parallel_loop3A_13 = arith.constant 1 : i32
      scf.for %parallel_loop3A_14 = %parallel_loop3A_11 to %parallel_loop3A_12 step %parallel_loop3A_13  : i32 {
        %parallel_loop3A_15 = arith.constant 16 : i32
        %parallel_loop3A_16 = arith.muli %parallel_loop3A_14, %parallel_loop3A_15 : i32
        %parallel_loop3A_17 = tpu.assume_multiple %parallel_loop3A_16, 16 : i32
        %parallel_loop3A_18 = arith.index_cast %parallel_loop3A_17 : i32 to index
        %parallel_loop3A_19 = tpu.vector_load %arg7[%parallel_loop3A_18] {strides = array<i32>} : memref<10240xi32, #tpu.memory_space<vmem>>, vector<16xi32>,
        %parallel_loop3A_20 = arith.index_cast %parallel_loop3A_17 : i32 to index
        %parallel_loop3A_21 = tpu.vector_load %arg8[%parallel_loop3A_20] {strides = array<i32>} : memref<10240xf32, #tpu.memory_space<vmem>>, vector<16xf32>,
        %parallel_loop3A_22 = arith.index_cast %parallel_loop3A_17 : i32 to index
        %parallel_loop3A_23 = tpu.vector_load %arg9[%parallel_loop3A_22] {strides = array<i32>} : memref<10240xf32, #tpu.memory_space<vmem>>, vector<16xf32>,
        %parallel_loop3A_24 = arith.index_cast %parallel_loop3A_17 : i32 to index
        %parallel_loop3A_25 = tpu.vector_load %arg10[%parallel_loop3A_24] {strides = array<i32>} : memref<10240xf32, #tpu.memory_space<vmem>>, vector<16xf32>,
        tpu.vector_store_idx %arg11[%parallel_loop3A_19], %parallel_loop3A_21 {add = true} : memref<40000xf32, #tpu.memory_space<vmem>>[vector<16xi32>], vector<16xf32>,
        %parallel_loop3A_26 = arith.constant 10000 : i32
        %parallel_loop3A_27 = vector.broadcast %parallel_loop3A_26 : i32 to vector<16xi32>
        %parallel_loop3A_28 = arith.addi %parallel_loop3A_19, %parallel_loop3A_27 : vector<16xi32>
        tpu.vector_store_idx %arg11[%parallel_loop3A_28], %parallel_loop3A_23 {add = true} : memref<40000xf32, #tpu.memory_space<vmem>>[vector<16xi32>], vector<16xf32>,
        %parallel_loop3A_29 = arith.constant 20000 : i32
        %parallel_loop3A_30 = vector.broadcast %parallel_loop3A_29 : i32 to vector<16xi32>
        %parallel_loop3A_31 = arith.addi %parallel_loop3A_19, %parallel_loop3A_30 : vector<16xi32>
        %parallel_loop3A_32 = arith.mulf %parallel_loop3A_21, %parallel_loop3A_25 : vector<16xf32>
        tpu.vector_store_idx %arg11[%parallel_loop3A_31], %parallel_loop3A_32 {add = true} : memref<40000xf32, #tpu.memory_space<vmem>>[vector<16xi32>], vector<16xf32>,
        %parallel_loop3A_33 = arith.constant 30000 : i32
        %parallel_loop3A_34 = vector.broadcast %parallel_loop3A_33 : i32 to vector<16xi32>
        %parallel_loop3A_35 = arith.addi %parallel_loop3A_19, %parallel_loop3A_34 : vector<16xi32>
        %parallel_loop3A_36 = arith.mulf %parallel_loop3A_23, %parallel_loop3A_25 : vector<16xf32>
        tpu.vector_store_idx %arg11[%parallel_loop3A_35], %parallel_loop3A_36 {add = true} : memref<40000xf32, #tpu.memory_space<vmem>>[vector<16xi32>], vector<16xf32>,
      } {sc.loop_unroll_factor = 4 : i64, sc.parallel_access}
    } else {
    }
    %eq3A = arith.constant 31 : i32
    %eq3A_7 = arith.cmpi eq, %add3A, %eq3A : i32
    %convert_element_type3A_8 = arith.extui %eq3A_7 : i1 to i32
    %cond3A_9 = arith.constant 0 : i32
    %cond3A_10 = arith.cmpi ne, %convert_element_type3A_8, %cond3A_9 : i32
    scf.if %cond3A_10 {
      %run_scoped3A = arith.constant 1 : i32
      "tpu.region"() ({
        %run_scoped3A_14 = tpu.sem_alloc : memref<!tpu.dma_semaphore, #tpu.memory_space<semaphore_mem>>
        %dma_start3A = arith.constant 0 : i32
        %dma_start3A_15 = tpu.memref_slice %arg7[%dma_start3A] : memref<10240xi32, #tpu.memory_space<vmem>> -> memref<2560xi32, #tpu.memory_space<vmem>>
        %dma_start3A_16 = tpu.memref_slice %arg2[%run_scoped3A, %mul3A_2] : memref<2x320000xi32, #tpu.memory_space<hbm>> -> memref<1x2560xi32, #tpu.memory_space<hbm>>
        %dma_start3A_17 = tpu.memref_squeeze %dma_start3A_16 : memref<1x2560xi32, #tpu.memory_space<hbm>> -> memref<2560xi32, #tpu.memory_space<hbm>>
        %dma_start3A_18 = arith.constant 0 : i32
        %dma_start3A_19 = tpu.memref_slice %arg7[%dma_start3A_18] : memref<10240xi32, #tpu.memory_space<vmem>> -> memref<2560xi32, #tpu.memory_space<vmem>>
        %dma_start3A_20 = tpu.memref_slice %arg2[%run_scoped3A, %mul3A_2] : memref<2x320000xi32, #tpu.memory_space<hbm>> -> memref<1x2560xi32, #tpu.memory_space<hbm>>
        %dma_start3A_21 = tpu.memref_squeeze %dma_start3A_20 : memref<1x2560xi32, #tpu.memory_space<hbm>> -> memref<2560xi32, #tpu.memory_space<hbm>>
        tpu.enqueue_dma source(%dma_start3A_21 : memref<2560xi32, #tpu.memory_space<hbm>>) target(%dma_start3A_19 : memref<2560xi32, #tpu.memory_space<vmem>>) target_semaphore(%run_scoped3A_14 : memref<!tpu.dma_semaphore, #tpu.memory_space<semaphore_mem>>)
        %dma_wait3A = arith.constant 0 : i32
        %dma_wait3A_22 = tpu.memref_slice %arg7[%dma_wait3A] : memref<10240xi32, #tpu.memory_space<vmem>> -> memref<2560xi32, #tpu.memory_space<vmem>>
        %dma_wait3A_23 = tpu.memref_slice %arg2[%run_scoped3A, %mul3A_2] : memref<2x320000xi32, #tpu.memory_space<hbm>> -> memref<1x2560xi32, #tpu.memory_space<hbm>>
        %dma_wait3A_24 = tpu.memref_squeeze %dma_wait3A_23 : memref<1x2560xi32, #tpu.memory_space<hbm>> -> memref<2560xi32, #tpu.memory_space<hbm>>
        %dma_wait3A_25 = arith.constant 0 : i32
        %dma_wait3A_26 = tpu.memref_slice %arg7[%dma_wait3A_25] : memref<10240xi32, #tpu.memory_space<vmem>> -> memref<2560xi32, #tpu.memory_space<vmem>>
        %dma_wait3A_27 = tpu.memref_slice %arg2[%run_scoped3A, %mul3A_2] : memref<2x320000xi32, #tpu.memory_space<hbm>> -> memref<1x2560xi32, #tpu.memory_space<hbm>>
        %dma_wait3A_28 = tpu.memref_squeeze %dma_wait3A_27 : memref<1x2560xi32, #tpu.memory_space<hbm>> -> memref<2560xi32, #tpu.memory_space<hbm>>
        tpu.wait_dma2 semaphore(%run_scoped3A_14 : memref<!tpu.dma_semaphore, #tpu.memory_space<semaphore_mem>>) src(%dma_wait3A_28 : memref<2560xi32, #tpu.memory_space<hbm>>) dst(%dma_wait3A_26 : memref<2560xi32, #tpu.memory_space<vmem>>)
        tpu.yield
      }) : () -> ()
      "tpu.region"() ({
        %run_scoped3A_14 = tpu.sem_alloc : memref<!tpu.dma_semaphore, #tpu.memory_space<semaphore_mem>>
        %dma_start3A = arith.constant 0 : i32
        %dma_start3A_15 = tpu.memref_slice %arg8[%dma_start3A] : memref<10240xf32, #tpu.memory_space<vmem>> -> memref<2560xf32, #tpu.memory_space<vmem>>
        %dma_start3A_16 = tpu.memref_slice %arg3[%mul3A_2] : memref<320000xf32, #tpu.memory_space<hbm>> -> memref<2560xf32, #tpu.memory_space<hbm>>
        %dma_start3A_17 = arith.constant 0 : i32
        %dma_start3A_18 = tpu.memref_slice %arg8[%dma_start3A_17] : memref<10240xf32, #tpu.memory_space<vmem>> -> memref<2560xf32, #tpu.memory_space<vmem>>
        %dma_start3A_19 = tpu.memref_slice %arg3[%mul3A_2] : memref<320000xf32, #tpu.memory_space<hbm>> -> memref<2560xf32, #tpu.memory_space<hbm>>
        tpu.enqueue_dma source(%dma_start3A_19 : memref<2560xf32, #tpu.memory_space<hbm>>) target(%dma_start3A_18 : memref<2560xf32, #tpu.memory_space<vmem>>) target_semaphore(%run_scoped3A_14 : memref<!tpu.dma_semaphore, #tpu.memory_space<semaphore_mem>>)
        %dma_wait3A = arith.constant 0 : i32
        %dma_wait3A_20 = tpu.memref_slice %arg8[%dma_wait3A] : memref<10240xf32, #tpu.memory_space<vmem>> -> memref<2560xf32, #tpu.memory_space<vmem>>
        %dma_wait3A_21 = tpu.memref_slice %arg3[%mul3A_2] : memref<320000xf32, #tpu.memory_space<hbm>> -> memref<2560xf32, #tpu.memory_space<hbm>>
        %dma_wait3A_22 = arith.constant 0 : i32
        %dma_wait3A_23 = tpu.memref_slice %arg8[%dma_wait3A_22] : memref<10240xf32, #tpu.memory_space<vmem>> -> memref<2560xf32, #tpu.memory_space<vmem>>
        %dma_wait3A_24 = tpu.memref_slice %arg3[%mul3A_2] : memref<320000xf32, #tpu.memory_space<hbm>> -> memref<2560xf32, #tpu.memory_space<hbm>>
        tpu.wait_dma2 semaphore(%run_scoped3A_14 : memref<!tpu.dma_semaphore, #tpu.memory_space<semaphore_mem>>) src(%dma_wait3A_24 : memref<2560xf32, #tpu.memory_space<hbm>>) dst(%dma_wait3A_23 : memref<2560xf32, #tpu.memory_space<vmem>>)
        tpu.yield
      }) : () -> ()
      "tpu.region"() ({
        %run_scoped3A_14 = tpu.sem_alloc : memref<!tpu.dma_semaphore, #tpu.memory_space<semaphore_mem>>
        %dma_start3A = arith.constant 0 : i32
        %dma_start3A_15 = tpu.memref_slice %arg9[%dma_start3A] : memref<10240xf32, #tpu.memory_space<vmem>> -> memref<2560xf32, #tpu.memory_space<vmem>>
        %dma_start3A_16 = tpu.memref_slice %arg4[%mul3A_2] : memref<320000xf32, #tpu.memory_space<hbm>> -> memref<2560xf32, #tpu.memory_space<hbm>>
        %dma_start3A_17 = arith.constant 0 : i32
        %dma_start3A_18 = tpu.memref_slice %arg9[%dma_start3A_17] : memref<10240xf32, #tpu.memory_space<vmem>> -> memref<2560xf32, #tpu.memory_space<vmem>>
        %dma_start3A_19 = tpu.memref_slice %arg4[%mul3A_2] : memref<320000xf32, #tpu.memory_space<hbm>> -> memref<2560xf32, #tpu.memory_space<hbm>>
        tpu.enqueue_dma source(%dma_start3A_19 : memref<2560xf32, #tpu.memory_space<hbm>>) target(%dma_start3A_18 : memref<2560xf32, #tpu.memory_space<vmem>>) target_semaphore(%run_scoped3A_14 : memref<!tpu.dma_semaphore, #tpu.memory_space<semaphore_mem>>)
        %dma_wait3A = arith.constant 0 : i32
        %dma_wait3A_20 = tpu.memref_slice %arg9[%dma_wait3A] : memref<10240xf32, #tpu.memory_space<vmem>> -> memref<2560xf32, #tpu.memory_space<vmem>>
        %dma_wait3A_21 = tpu.memref_slice %arg4[%mul3A_2] : memref<320000xf32, #tpu.memory_space<hbm>> -> memref<2560xf32, #tpu.memory_space<hbm>>
        %dma_wait3A_22 = arith.constant 0 : i32
        %dma_wait3A_23 = tpu.memref_slice %arg9[%dma_wait3A_22] : memref<10240xf32, #tpu.memory_space<vmem>> -> memref<2560xf32, #tpu.memory_space<vmem>>
        %dma_wait3A_24 = tpu.memref_slice %arg4[%mul3A_2] : memref<320000xf32, #tpu.memory_space<hbm>> -> memref<2560xf32, #tpu.memory_space<hbm>>
        tpu.wait_dma2 semaphore(%run_scoped3A_14 : memref<!tpu.dma_semaphore, #tpu.memory_space<semaphore_mem>>) src(%dma_wait3A_24 : memref<2560xf32, #tpu.memory_space<hbm>>) dst(%dma_wait3A_23 : memref<2560xf32, #tpu.memory_space<vmem>>)
        tpu.yield
      }) : () -> ()
      "tpu.region"() ({
        %run_scoped3A_14 = tpu.sem_alloc : memref<!tpu.dma_semaphore, #tpu.memory_space<semaphore_mem>>
        %dma_start3A = arith.constant 0 : i32
        %dma_start3A_15 = tpu.memref_slice %arg10[%dma_start3A] : memref<10240xf32, #tpu.memory_space<vmem>> -> memref<2560xf32, #tpu.memory_space<vmem>>
        %dma_start3A_16 = tpu.memref_slice %arg5[%mul3A_2] : memref<320000xf32, #tpu.memory_space<hbm>> -> memref<2560xf32, #tpu.memory_space<hbm>>
        %dma_start3A_17 = arith.constant 0 : i32
        %dma_start3A_18 = tpu.memref_slice %arg10[%dma_start3A_17] : memref<10240xf32, #tpu.memory_space<vmem>> -> memref<2560xf32, #tpu.memory_space<vmem>>
        %dma_start3A_19 = tpu.memref_slice %arg5[%mul3A_2] : memref<320000xf32, #tpu.memory_space<hbm>> -> memref<2560xf32, #tpu.memory_space<hbm>>
        tpu.enqueue_dma source(%dma_start3A_19 : memref<2560xf32, #tpu.memory_space<hbm>>) target(%dma_start3A_18 : memref<2560xf32, #tpu.memory_space<vmem>>) target_semaphore(%run_scoped3A_14 : memref<!tpu.dma_semaphore, #tpu.memory_space<semaphore_mem>>)
        %dma_wait3A = arith.constant 0 : i32
        %dma_wait3A_20 = tpu.memref_slice %arg10[%dma_wait3A] : memref<10240xf32, #tpu.memory_space<vmem>> -> memref<2560xf32, #tpu.memory_space<vmem>>
        %dma_wait3A_21 = tpu.memref_slice %arg5[%mul3A_2] : memref<320000xf32, #tpu.memory_space<hbm>> -> memref<2560xf32, #tpu.memory_space<hbm>>
        %dma_wait3A_22 = arith.constant 0 : i32
        %dma_wait3A_23 = tpu.memref_slice %arg10[%dma_wait3A_22] : memref<10240xf32, #tpu.memory_space<vmem>> -> memref<2560xf32, #tpu.memory_space<vmem>>
        %dma_wait3A_24 = tpu.memref_slice %arg5[%mul3A_2] : memref<320000xf32, #tpu.memory_space<hbm>> -> memref<2560xf32, #tpu.memory_space<hbm>>
        tpu.wait_dma2 semaphore(%run_scoped3A_14 : memref<!tpu.dma_semaphore, #tpu.memory_space<semaphore_mem>>) src(%dma_wait3A_24 : memref<2560xf32, #tpu.memory_space<hbm>>) dst(%dma_wait3A_23 : memref<2560xf32, #tpu.memory_space<vmem>>)
        tpu.yield
      }) : () -> ()
      %parallel_loop3A_11 = arith.constant 0 : i32
      %parallel_loop3A_12 = arith.constant 160 : i32
      %parallel_loop3A_13 = arith.constant 1 : i32
      scf.for %parallel_loop3A_14 = %parallel_loop3A_11 to %parallel_loop3A_12 step %parallel_loop3A_13  : i32 {
        %parallel_loop3A_15 = arith.constant 16 : i32
        %parallel_loop3A_16 = arith.muli %parallel_loop3A_14, %parallel_loop3A_15 : i32
        %parallel_loop3A_17 = tpu.assume_multiple %parallel_loop3A_16, 16 : i32
        %parallel_loop3A_18 = arith.index_cast %parallel_loop3A_17 : i32 to index
        %parallel_loop3A_19 = tpu.vector_load %arg7[%parallel_loop3A_18] {strides = array<i32>} : memref<10240xi32, #tpu.memory_space<vmem>>, vector<16xi32>,
        %parallel_loop3A_20 = arith.index_cast %parallel_loop3A_17 : i32 to index
        %parallel_loop3A_21 = tpu.vector_load %arg8[%parallel_loop3A_20] {strides = array<i32>} : memref<10240xf32, #tpu.memory_space<vmem>>, vector<16xf32>,
        %parallel_loop3A_22 = arith.index_cast %parallel_loop3A_17 : i32 to index
        %parallel_loop3A_23 = tpu.vector_load %arg9[%parallel_loop3A_22] {strides = array<i32>} : memref<10240xf32, #tpu.memory_space<vmem>>, vector<16xf32>,
        %parallel_loop3A_24 = arith.index_cast %parallel_loop3A_17 : i32 to index
        %parallel_loop3A_25 = tpu.vector_load %arg10[%parallel_loop3A_24] {strides = array<i32>} : memref<10240xf32, #tpu.memory_space<vmem>>, vector<16xf32>,
        tpu.vector_store_idx %arg11[%parallel_loop3A_19], %parallel_loop3A_21 {add = true} : memref<40000xf32, #tpu.memory_space<vmem>>[vector<16xi32>], vector<16xf32>,
        %parallel_loop3A_26 = arith.constant 10000 : i32
        %parallel_loop3A_27 = vector.broadcast %parallel_loop3A_26 : i32 to vector<16xi32>
        %parallel_loop3A_28 = arith.addi %parallel_loop3A_19, %parallel_loop3A_27 : vector<16xi32>
        tpu.vector_store_idx %arg11[%parallel_loop3A_28], %parallel_loop3A_23 {add = true} : memref<40000xf32, #tpu.memory_space<vmem>>[vector<16xi32>], vector<16xf32>,
        %parallel_loop3A_29 = arith.constant 20000 : i32
        %parallel_loop3A_30 = vector.broadcast %parallel_loop3A_29 : i32 to vector<16xi32>
        %parallel_loop3A_31 = arith.addi %parallel_loop3A_19, %parallel_loop3A_30 : vector<16xi32>
        %parallel_loop3A_32 = arith.mulf %parallel_loop3A_21, %parallel_loop3A_25 : vector<16xf32>
        tpu.vector_store_idx %arg11[%parallel_loop3A_31], %parallel_loop3A_32 {add = true} : memref<40000xf32, #tpu.memory_space<vmem>>[vector<16xi32>], vector<16xf32>,
        %parallel_loop3A_33 = arith.constant 30000 : i32
        %parallel_loop3A_34 = vector.broadcast %parallel_loop3A_33 : i32 to vector<16xi32>
        %parallel_loop3A_35 = arith.addi %parallel_loop3A_19, %parallel_loop3A_34 : vector<16xi32>
        %parallel_loop3A_36 = arith.mulf %parallel_loop3A_23, %parallel_loop3A_25 : vector<16xf32>
        tpu.vector_store_idx %arg11[%parallel_loop3A_35], %parallel_loop3A_36 {add = true} : memref<40000xf32, #tpu.memory_space<vmem>>[vector<16xi32>], vector<16xf32>,
      } {sc.loop_unroll_factor = 4 : i64, sc.parallel_access}
    } else {
    }
    "tpu.region"() ({
      %run_scoped3A = tpu.sem_alloc : memref<!tpu.dma_semaphore, #tpu.memory_space<semaphore_mem>>
      %dma_start3A = arith.constant 0 : i32
      %dma_start3A_11 = tpu.memref_slice %arg6[%add3A, %dma_start3A] : memref<32x40000xf32, #tpu.memory_space<hbm>> -> memref<1x40000xf32, #tpu.memory_space<hbm>>
      %dma_start3A_12 = tpu.memref_squeeze %dma_start3A_11 : memref<1x40000xf32, #tpu.memory_space<hbm>> -> memref<40000xf32, #tpu.memory_space<hbm>>
      %dma_start3A_13 = arith.constant 0 : i32
      %dma_start3A_14 = tpu.memref_slice %arg6[%add3A, %dma_start3A_13] : memref<32x40000xf32, #tpu.memory_space<hbm>> -> memref<1x40000xf32, #tpu.memory_space<hbm>>
      %dma_start3A_15 = tpu.memref_squeeze %dma_start3A_14 : memref<1x40000xf32, #tpu.memory_space<hbm>> -> memref<40000xf32, #tpu.memory_space<hbm>>
      tpu.enqueue_dma source(%arg11 : memref<40000xf32, #tpu.memory_space<vmem>>) target(%dma_start3A_15 : memref<40000xf32, #tpu.memory_space<hbm>>) target_semaphore(%run_scoped3A : memref<!tpu.dma_semaphore, #tpu.memory_space<semaphore_mem>>)
      %dma_wait3A = arith.constant 0 : i32
      %dma_wait3A_16 = tpu.memref_slice %arg6[%add3A, %dma_wait3A] : memref<32x40000xf32, #tpu.memory_space<hbm>> -> memref<1x40000xf32, #tpu.memory_space<hbm>>
      %dma_wait3A_17 = tpu.memref_squeeze %dma_wait3A_16 : memref<1x40000xf32, #tpu.memory_space<hbm>> -> memref<40000xf32, #tpu.memory_space<hbm>>
      %dma_wait3A_18 = arith.constant 0 : i32
      %dma_wait3A_19 = tpu.memref_slice %arg6[%add3A, %dma_wait3A_18] : memref<32x40000xf32, #tpu.memory_space<hbm>> -> memref<1x40000xf32, #tpu.memory_space<hbm>>
      %dma_wait3A_20 = tpu.memref_squeeze %dma_wait3A_19 : memref<1x40000xf32, #tpu.memory_space<hbm>> -> memref<40000xf32, #tpu.memory_space<hbm>>
      tpu.wait_dma2 semaphore(%run_scoped3A : memref<!tpu.dma_semaphore, #tpu.memory_space<semaphore_mem>>) src(%arg11 : memref<40000xf32, #tpu.memory_space<vmem>>) dst(%dma_wait3A_20 : memref<40000xf32, #tpu.memory_space<hbm>>)
      tpu.yield
    }) : () -> ()
    return
  }
}

#map = affine_map<(d0, d1) -> (0)>
#map1 = affine_map<(d0, d1) -> (0, 0)>
module attributes {stable_mosaic.version = 14 : i64} {
  func.func @_gather_body(%arg0: i32, %arg1: i32, %arg2: memref<10000xf32, #tpu.memory_space<hbm>>, %arg3: memref<10000xf32, #tpu.memory_space<hbm>>, %arg4: memref<10000xf32, #tpu.memory_space<hbm>>, %arg5: memref<2x320000xi32, #tpu.memory_space<hbm>>, %arg6: memref<320000xf32, #tpu.memory_space<hbm>>, %arg7: memref<320000xf32, #tpu.memory_space<hbm>>, %arg8: memref<320000xf32, #tpu.memory_space<hbm>>, %arg9: memref<320000xf32, #tpu.memory_space<hbm>>, %arg10: memref<10000xf32, #tpu.memory_space<vmem>>, %arg11: memref<10000xf32, #tpu.memory_space<vmem>>, %arg12: memref<10000xf32, #tpu.memory_space<vmem>>, %arg13: memref<10240xi32, #tpu.memory_space<vmem>>, %arg14: memref<10240xf32, #tpu.memory_space<vmem>>, %arg15: memref<10240xf32, #tpu.memory_space<vmem>>, %arg16: memref<10240xf32, #tpu.memory_space<vmem>>) attributes {dimension_semantics = [#tpu.dimension_semantics<core_parallel>, #tpu.dimension_semantics<subcore_parallel>], iteration_bounds = array<i64: 2, 16>, scalar_prefetch = 0 : i64, scratch_operands = 7 : i64, tpu.core_type = #tpu.core_type<sc_vector_subcore>, window_params = [{transform_indices = #map}, {transform_indices = #map}, {transform_indices = #map}, {transform_indices = #map1}, {transform_indices = #map}, {transform_indices = #map}, {transform_indices = #map}, {transform_indices = #map}]} {
    %mul3A = arith.constant 2 : i32
    %mul3A_0 = arith.muli %arg1, %mul3A : i32
    %add3A = arith.addi %mul3A_0, %arg0 : i32
    %mul3A_1 = arith.constant 10240 : i32
    %mul3A_2 = arith.muli %add3A, %mul3A_1 : i32
    "tpu.region"() ({
      %run_scoped3A = tpu.sem_alloc : memref<!tpu.dma_semaphore, #tpu.memory_space<semaphore_mem>>
      tpu.enqueue_dma source(%arg2 : memref<10000xf32, #tpu.memory_space<hbm>>) target(%arg10 : memref<10000xf32, #tpu.memory_space<vmem>>) target_semaphore(%run_scoped3A : memref<!tpu.dma_semaphore, #tpu.memory_space<semaphore_mem>>)
      tpu.wait_dma2 semaphore(%run_scoped3A : memref<!tpu.dma_semaphore, #tpu.memory_space<semaphore_mem>>) src(%arg2 : memref<10000xf32, #tpu.memory_space<hbm>>) dst(%arg10 : memref<10000xf32, #tpu.memory_space<vmem>>)
      tpu.yield
    }) : () -> ()
    "tpu.region"() ({
      %run_scoped3A = tpu.sem_alloc : memref<!tpu.dma_semaphore, #tpu.memory_space<semaphore_mem>>
      tpu.enqueue_dma source(%arg3 : memref<10000xf32, #tpu.memory_space<hbm>>) target(%arg11 : memref<10000xf32, #tpu.memory_space<vmem>>) target_semaphore(%run_scoped3A : memref<!tpu.dma_semaphore, #tpu.memory_space<semaphore_mem>>)
      tpu.wait_dma2 semaphore(%run_scoped3A : memref<!tpu.dma_semaphore, #tpu.memory_space<semaphore_mem>>) src(%arg3 : memref<10000xf32, #tpu.memory_space<hbm>>) dst(%arg11 : memref<10000xf32, #tpu.memory_space<vmem>>)
      tpu.yield
    }) : () -> ()
    "tpu.region"() ({
      %run_scoped3A = tpu.sem_alloc : memref<!tpu.dma_semaphore, #tpu.memory_space<semaphore_mem>>
      tpu.enqueue_dma source(%arg4 : memref<10000xf32, #tpu.memory_space<hbm>>) target(%arg12 : memref<10000xf32, #tpu.memory_space<vmem>>) target_semaphore(%run_scoped3A : memref<!tpu.dma_semaphore, #tpu.memory_space<semaphore_mem>>)
      tpu.wait_dma2 semaphore(%run_scoped3A : memref<!tpu.dma_semaphore, #tpu.memory_space<semaphore_mem>>) src(%arg4 : memref<10000xf32, #tpu.memory_space<hbm>>) dst(%arg12 : memref<10000xf32, #tpu.memory_space<vmem>>)
      tpu.yield
    }) : () -> ()
    %lt3A = arith.constant 31 : i32
    %lt3A_3 = arith.cmpi slt, %add3A, %lt3A : i32
    %convert_element_type3A = arith.extui %lt3A_3 : i1 to i32
    %cond3A = arith.constant 0 : i32
    %cond3A_4 = arith.cmpi ne, %convert_element_type3A, %cond3A : i32
    scf.if %cond3A_4 {
      %run_scoped3A = arith.constant 0 : i32
      "tpu.region"() ({
        %run_scoped3A_15 = tpu.sem_alloc : memref<!tpu.dma_semaphore, #tpu.memory_space<semaphore_mem>>
        %dma_start3A = arith.constant 0 : i32
        %dma_start3A_16 = tpu.memref_slice %arg13[%dma_start3A] : memref<10240xi32, #tpu.memory_space<vmem>> -> memref<10240xi32, #tpu.memory_space<vmem>>
        %dma_start3A_17 = tpu.memref_slice %arg5[%run_scoped3A, %mul3A_2] : memref<2x320000xi32, #tpu.memory_space<hbm>> -> memref<1x10240xi32, #tpu.memory_space<hbm>>
        %dma_start3A_18 = tpu.memref_squeeze %dma_start3A_17 : memref<1x10240xi32, #tpu.memory_space<hbm>> -> memref<10240xi32, #tpu.memory_space<hbm>>
        %dma_start3A_19 = arith.constant 0 : i32
        %dma_start3A_20 = tpu.memref_slice %arg13[%dma_start3A_19] : memref<10240xi32, #tpu.memory_space<vmem>> -> memref<10240xi32, #tpu.memory_space<vmem>>
        %dma_start3A_21 = tpu.memref_slice %arg5[%run_scoped3A, %mul3A_2] : memref<2x320000xi32, #tpu.memory_space<hbm>> -> memref<1x10240xi32, #tpu.memory_space<hbm>>
        %dma_start3A_22 = tpu.memref_squeeze %dma_start3A_21 : memref<1x10240xi32, #tpu.memory_space<hbm>> -> memref<10240xi32, #tpu.memory_space<hbm>>
        tpu.enqueue_dma source(%dma_start3A_22 : memref<10240xi32, #tpu.memory_space<hbm>>) target(%dma_start3A_20 : memref<10240xi32, #tpu.memory_space<vmem>>) target_semaphore(%run_scoped3A_15 : memref<!tpu.dma_semaphore, #tpu.memory_space<semaphore_mem>>)
        %dma_wait3A = arith.constant 0 : i32
        %dma_wait3A_23 = tpu.memref_slice %arg13[%dma_wait3A] : memref<10240xi32, #tpu.memory_space<vmem>> -> memref<10240xi32, #tpu.memory_space<vmem>>
        %dma_wait3A_24 = tpu.memref_slice %arg5[%run_scoped3A, %mul3A_2] : memref<2x320000xi32, #tpu.memory_space<hbm>> -> memref<1x10240xi32, #tpu.memory_space<hbm>>
        %dma_wait3A_25 = tpu.memref_squeeze %dma_wait3A_24 : memref<1x10240xi32, #tpu.memory_space<hbm>> -> memref<10240xi32, #tpu.memory_space<hbm>>
        %dma_wait3A_26 = arith.constant 0 : i32
        %dma_wait3A_27 = tpu.memref_slice %arg13[%dma_wait3A_26] : memref<10240xi32, #tpu.memory_space<vmem>> -> memref<10240xi32, #tpu.memory_space<vmem>>
        %dma_wait3A_28 = tpu.memref_slice %arg5[%run_scoped3A, %mul3A_2] : memref<2x320000xi32, #tpu.memory_space<hbm>> -> memref<1x10240xi32, #tpu.memory_space<hbm>>
        %dma_wait3A_29 = tpu.memref_squeeze %dma_wait3A_28 : memref<1x10240xi32, #tpu.memory_space<hbm>> -> memref<10240xi32, #tpu.memory_space<hbm>>
        tpu.wait_dma2 semaphore(%run_scoped3A_15 : memref<!tpu.dma_semaphore, #tpu.memory_space<semaphore_mem>>) src(%dma_wait3A_29 : memref<10240xi32, #tpu.memory_space<hbm>>) dst(%dma_wait3A_27 : memref<10240xi32, #tpu.memory_space<vmem>>)
        tpu.yield
      }) : () -> ()
      %parallel_loop3A = arith.constant 0 : i32
      %parallel_loop3A_9 = arith.constant 640 : i32
      %parallel_loop3A_10 = arith.constant 1 : i32
      scf.for %parallel_loop3A_15 = %parallel_loop3A to %parallel_loop3A_9 step %parallel_loop3A_10  : i32 {
        %parallel_loop3A_16 = arith.constant 16 : i32
        %parallel_loop3A_17 = arith.muli %parallel_loop3A_15, %parallel_loop3A_16 : i32
        %parallel_loop3A_18 = tpu.assume_multiple %parallel_loop3A_17, 16 : i32
        %parallel_loop3A_19 = arith.index_cast %parallel_loop3A_18 : i32 to index
        %parallel_loop3A_20 = tpu.vector_load %arg13[%parallel_loop3A_19] {strides = array<i32>} : memref<10240xi32, #tpu.memory_space<vmem>>, vector<16xi32>,
        %parallel_loop3A_21 = tpu.vector_load_idx %arg10[%parallel_loop3A_20] : memref<10000xf32, #tpu.memory_space<vmem>>[vector<16xi32>], vector<16xf32>,
        %parallel_loop3A_22 = arith.index_cast %parallel_loop3A_18 : i32 to index
        %parallel_loop3A_23 = tpu.vector_load %arg14[%parallel_loop3A_22] {strides = array<i32>} : memref<10240xf32, #tpu.memory_space<vmem>>, vector<16xf32>,
        tpu.vector_store %arg14[%parallel_loop3A_22], %parallel_loop3A_21 {strides = array<i32>} : memref<10240xf32, #tpu.memory_space<vmem>>, vector<16xf32>,
      } {sc.loop_unroll_factor = 8 : i64, sc.parallel_access}
      "tpu.region"() ({
        %run_scoped3A_15 = tpu.sem_alloc : memref<!tpu.dma_semaphore, #tpu.memory_space<semaphore_mem>>
        %dma_start3A = arith.constant 0 : i32
        %dma_start3A_16 = tpu.memref_slice %arg14[%dma_start3A] : memref<10240xf32, #tpu.memory_space<vmem>> -> memref<10240xf32, #tpu.memory_space<vmem>>
        %dma_start3A_17 = tpu.memref_slice %arg6[%mul3A_2] : memref<320000xf32, #tpu.memory_space<hbm>> -> memref<10240xf32, #tpu.memory_space<hbm>>
        %dma_start3A_18 = tpu.memref_slice %arg6[%mul3A_2] : memref<320000xf32, #tpu.memory_space<hbm>> -> memref<10240xf32, #tpu.memory_space<hbm>>
        %dma_start3A_19 = arith.constant 0 : i32
        %dma_start3A_20 = tpu.memref_slice %arg14[%dma_start3A_19] : memref<10240xf32, #tpu.memory_space<vmem>> -> memref<10240xf32, #tpu.memory_space<vmem>>
        tpu.enqueue_dma source(%dma_start3A_20 : memref<10240xf32, #tpu.memory_space<vmem>>) target(%dma_start3A_18 : memref<10240xf32, #tpu.memory_space<hbm>>) target_semaphore(%run_scoped3A_15 : memref<!tpu.dma_semaphore, #tpu.memory_space<semaphore_mem>>)
        %dma_wait3A = arith.constant 0 : i32
        %dma_wait3A_21 = tpu.memref_slice %arg14[%dma_wait3A] : memref<10240xf32, #tpu.memory_space<vmem>> -> memref<10240xf32, #tpu.memory_space<vmem>>
        %dma_wait3A_22 = tpu.memref_slice %arg6[%mul3A_2] : memref<320000xf32, #tpu.memory_space<hbm>> -> memref<10240xf32, #tpu.memory_space<hbm>>
        %dma_wait3A_23 = tpu.memref_slice %arg6[%mul3A_2] : memref<320000xf32, #tpu.memory_space<hbm>> -> memref<10240xf32, #tpu.memory_space<hbm>>
        %dma_wait3A_24 = arith.constant 0 : i32
        %dma_wait3A_25 = tpu.memref_slice %arg14[%dma_wait3A_24] : memref<10240xf32, #tpu.memory_space<vmem>> -> memref<10240xf32, #tpu.memory_space<vmem>>
        tpu.wait_dma2 semaphore(%run_scoped3A_15 : memref<!tpu.dma_semaphore, #tpu.memory_space<semaphore_mem>>) src(%dma_wait3A_25 : memref<10240xf32, #tpu.memory_space<vmem>>) dst(%dma_wait3A_23 : memref<10240xf32, #tpu.memory_space<hbm>>)
        tpu.yield
      }) : () -> ()
      %run_scoped3A_11 = arith.constant 1 : i32
      "tpu.region"() ({
        %run_scoped3A_15 = tpu.sem_alloc : memref<!tpu.dma_semaphore, #tpu.memory_space<semaphore_mem>>
        %dma_start3A = arith.constant 0 : i32
        %dma_start3A_16 = tpu.memref_slice %arg13[%dma_start3A] : memref<10240xi32, #tpu.memory_space<vmem>> -> memref<10240xi32, #tpu.memory_space<vmem>>
        %dma_start3A_17 = tpu.memref_slice %arg5[%run_scoped3A_11, %mul3A_2] : memref<2x320000xi32, #tpu.memory_space<hbm>> -> memref<1x10240xi32, #tpu.memory_space<hbm>>
        %dma_start3A_18 = tpu.memref_squeeze %dma_start3A_17 : memref<1x10240xi32, #tpu.memory_space<hbm>> -> memref<10240xi32, #tpu.memory_space<hbm>>
        %dma_start3A_19 = arith.constant 0 : i32
        %dma_start3A_20 = tpu.memref_slice %arg13[%dma_start3A_19] : memref<10240xi32, #tpu.memory_space<vmem>> -> memref<10240xi32, #tpu.memory_space<vmem>>
        %dma_start3A_21 = tpu.memref_slice %arg5[%run_scoped3A_11, %mul3A_2] : memref<2x320000xi32, #tpu.memory_space<hbm>> -> memref<1x10240xi32, #tpu.memory_space<hbm>>
        %dma_start3A_22 = tpu.memref_squeeze %dma_start3A_21 : memref<1x10240xi32, #tpu.memory_space<hbm>> -> memref<10240xi32, #tpu.memory_space<hbm>>
        tpu.enqueue_dma source(%dma_start3A_22 : memref<10240xi32, #tpu.memory_space<hbm>>) target(%dma_start3A_20 : memref<10240xi32, #tpu.memory_space<vmem>>) target_semaphore(%run_scoped3A_15 : memref<!tpu.dma_semaphore, #tpu.memory_space<semaphore_mem>>)
        %dma_wait3A = arith.constant 0 : i32
        %dma_wait3A_23 = tpu.memref_slice %arg13[%dma_wait3A] : memref<10240xi32, #tpu.memory_space<vmem>> -> memref<10240xi32, #tpu.memory_space<vmem>>
        %dma_wait3A_24 = tpu.memref_slice %arg5[%run_scoped3A_11, %mul3A_2] : memref<2x320000xi32, #tpu.memory_space<hbm>> -> memref<1x10240xi32, #tpu.memory_space<hbm>>
        %dma_wait3A_25 = tpu.memref_squeeze %dma_wait3A_24 : memref<1x10240xi32, #tpu.memory_space<hbm>> -> memref<10240xi32, #tpu.memory_space<hbm>>
        %dma_wait3A_26 = arith.constant 0 : i32
        %dma_wait3A_27 = tpu.memref_slice %arg13[%dma_wait3A_26] : memref<10240xi32, #tpu.memory_space<vmem>> -> memref<10240xi32, #tpu.memory_space<vmem>>
        %dma_wait3A_28 = tpu.memref_slice %arg5[%run_scoped3A_11, %mul3A_2] : memref<2x320000xi32, #tpu.memory_space<hbm>> -> memref<1x10240xi32, #tpu.memory_space<hbm>>
        %dma_wait3A_29 = tpu.memref_squeeze %dma_wait3A_28 : memref<1x10240xi32, #tpu.memory_space<hbm>> -> memref<10240xi32, #tpu.memory_space<hbm>>
        tpu.wait_dma2 semaphore(%run_scoped3A_15 : memref<!tpu.dma_semaphore, #tpu.memory_space<semaphore_mem>>) src(%dma_wait3A_29 : memref<10240xi32, #tpu.memory_space<hbm>>) dst(%dma_wait3A_27 : memref<10240xi32, #tpu.memory_space<vmem>>)
        tpu.yield
      }) : () -> ()
      %parallel_loop3A_12 = arith.constant 0 : i32
      %parallel_loop3A_13 = arith.constant 640 : i32
      %parallel_loop3A_14 = arith.constant 1 : i32
      scf.for %parallel_loop3A_15 = %parallel_loop3A_12 to %parallel_loop3A_13 step %parallel_loop3A_14  : i32 {
        %parallel_loop3A_16 = arith.constant 16 : i32
        %parallel_loop3A_17 = arith.muli %parallel_loop3A_15, %parallel_loop3A_16 : i32
        %parallel_loop3A_18 = tpu.assume_multiple %parallel_loop3A_17, 16 : i32
        %parallel_loop3A_19 = arith.index_cast %parallel_loop3A_18 : i32 to index
        %parallel_loop3A_20 = tpu.vector_load %arg13[%parallel_loop3A_19] {strides = array<i32>} : memref<10240xi32, #tpu.memory_space<vmem>>, vector<16xi32>,
        %parallel_loop3A_21 = tpu.vector_load_idx %arg10[%parallel_loop3A_20] : memref<10000xf32, #tpu.memory_space<vmem>>[vector<16xi32>], vector<16xf32>,
        %parallel_loop3A_22 = arith.index_cast %parallel_loop3A_18 : i32 to index
        %parallel_loop3A_23 = tpu.vector_load %arg14[%parallel_loop3A_22] {strides = array<i32>} : memref<10240xf32, #tpu.memory_space<vmem>>, vector<16xf32>,
        tpu.vector_store %arg14[%parallel_loop3A_22], %parallel_loop3A_21 {strides = array<i32>} : memref<10240xf32, #tpu.memory_space<vmem>>, vector<16xf32>,
        %parallel_loop3A_24 = tpu.vector_load_idx %arg11[%parallel_loop3A_20] : memref<10000xf32, #tpu.memory_space<vmem>>[vector<16xi32>], vector<16xf32>,
        %parallel_loop3A_25 = arith.index_cast %parallel_loop3A_18 : i32 to index
        %parallel_loop3A_26 = tpu.vector_load %arg15[%parallel_loop3A_25] {strides = array<i32>} : memref<10240xf32, #tpu.memory_space<vmem>>, vector<16xf32>,
        tpu.vector_store %arg15[%parallel_loop3A_25], %parallel_loop3A_24 {strides = array<i32>} : memref<10240xf32, #tpu.memory_space<vmem>>, vector<16xf32>,
        %parallel_loop3A_27 = tpu.vector_load_idx %arg12[%parallel_loop3A_20] : memref<10000xf32, #tpu.memory_space<vmem>>[vector<16xi32>], vector<16xf32>,
        %parallel_loop3A_28 = arith.index_cast %parallel_loop3A_18 : i32 to index
        %parallel_loop3A_29 = tpu.vector_load %arg16[%parallel_loop3A_28] {strides = array<i32>} : memref<10240xf32, #tpu.memory_space<vmem>>, vector<16xf32>,
        tpu.vector_store %arg16[%parallel_loop3A_28], %parallel_loop3A_27 {strides = array<i32>} : memref<10240xf32, #tpu.memory_space<vmem>>, vector<16xf32>,
      } {sc.loop_unroll_factor = 8 : i64, sc.parallel_access}
      "tpu.region"() ({
        %run_scoped3A_15 = tpu.sem_alloc : memref<!tpu.dma_semaphore, #tpu.memory_space<semaphore_mem>>
        %dma_start3A = arith.constant 0 : i32
        %dma_start3A_16 = tpu.memref_slice %arg14[%dma_start3A] : memref<10240xf32, #tpu.memory_space<vmem>> -> memref<10240xf32, #tpu.memory_space<vmem>>
        %dma_start3A_17 = tpu.memref_slice %arg7[%mul3A_2] : memref<320000xf32, #tpu.memory_space<hbm>> -> memref<10240xf32, #tpu.memory_space<hbm>>
        %dma_start3A_18 = tpu.memref_slice %arg7[%mul3A_2] : memref<320000xf32, #tpu.memory_space<hbm>> -> memref<10240xf32, #tpu.memory_space<hbm>>
        %dma_start3A_19 = arith.constant 0 : i32
        %dma_start3A_20 = tpu.memref_slice %arg14[%dma_start3A_19] : memref<10240xf32, #tpu.memory_space<vmem>> -> memref<10240xf32, #tpu.memory_space<vmem>>
        tpu.enqueue_dma source(%dma_start3A_20 : memref<10240xf32, #tpu.memory_space<vmem>>) target(%dma_start3A_18 : memref<10240xf32, #tpu.memory_space<hbm>>) target_semaphore(%run_scoped3A_15 : memref<!tpu.dma_semaphore, #tpu.memory_space<semaphore_mem>>)
        %dma_wait3A = arith.constant 0 : i32
        %dma_wait3A_21 = tpu.memref_slice %arg14[%dma_wait3A] : memref<10240xf32, #tpu.memory_space<vmem>> -> memref<10240xf32, #tpu.memory_space<vmem>>
        %dma_wait3A_22 = tpu.memref_slice %arg7[%mul3A_2] : memref<320000xf32, #tpu.memory_space<hbm>> -> memref<10240xf32, #tpu.memory_space<hbm>>
        %dma_wait3A_23 = tpu.memref_slice %arg7[%mul3A_2] : memref<320000xf32, #tpu.memory_space<hbm>> -> memref<10240xf32, #tpu.memory_space<hbm>>
        %dma_wait3A_24 = arith.constant 0 : i32
        %dma_wait3A_25 = tpu.memref_slice %arg14[%dma_wait3A_24] : memref<10240xf32, #tpu.memory_space<vmem>> -> memref<10240xf32, #tpu.memory_space<vmem>>
        tpu.wait_dma2 semaphore(%run_scoped3A_15 : memref<!tpu.dma_semaphore, #tpu.memory_space<semaphore_mem>>) src(%dma_wait3A_25 : memref<10240xf32, #tpu.memory_space<vmem>>) dst(%dma_wait3A_23 : memref<10240xf32, #tpu.memory_space<hbm>>)
        tpu.yield
      }) : () -> ()
      "tpu.region"() ({
        %run_scoped3A_15 = tpu.sem_alloc : memref<!tpu.dma_semaphore, #tpu.memory_space<semaphore_mem>>
        %dma_start3A = arith.constant 0 : i32
        %dma_start3A_16 = tpu.memref_slice %arg15[%dma_start3A] : memref<10240xf32, #tpu.memory_space<vmem>> -> memref<10240xf32, #tpu.memory_space<vmem>>
        %dma_start3A_17 = tpu.memref_slice %arg8[%mul3A_2] : memref<320000xf32, #tpu.memory_space<hbm>> -> memref<10240xf32, #tpu.memory_space<hbm>>
        %dma_start3A_18 = tpu.memref_slice %arg8[%mul3A_2] : memref<320000xf32, #tpu.memory_space<hbm>> -> memref<10240xf32, #tpu.memory_space<hbm>>
        %dma_start3A_19 = arith.constant 0 : i32
        %dma_start3A_20 = tpu.memref_slice %arg15[%dma_start3A_19] : memref<10240xf32, #tpu.memory_space<vmem>> -> memref<10240xf32, #tpu.memory_space<vmem>>
        tpu.enqueue_dma source(%dma_start3A_20 : memref<10240xf32, #tpu.memory_space<vmem>>) target(%dma_start3A_18 : memref<10240xf32, #tpu.memory_space<hbm>>) target_semaphore(%run_scoped3A_15 : memref<!tpu.dma_semaphore, #tpu.memory_space<semaphore_mem>>)
        %dma_wait3A = arith.constant 0 : i32
        %dma_wait3A_21 = tpu.memref_slice %arg15[%dma_wait3A] : memref<10240xf32, #tpu.memory_space<vmem>> -> memref<10240xf32, #tpu.memory_space<vmem>>
        %dma_wait3A_22 = tpu.memref_slice %arg8[%mul3A_2] : memref<320000xf32, #tpu.memory_space<hbm>> -> memref<10240xf32, #tpu.memory_space<hbm>>
        %dma_wait3A_23 = tpu.memref_slice %arg8[%mul3A_2] : memref<320000xf32, #tpu.memory_space<hbm>> -> memref<10240xf32, #tpu.memory_space<hbm>>
        %dma_wait3A_24 = arith.constant 0 : i32
        %dma_wait3A_25 = tpu.memref_slice %arg15[%dma_wait3A_24] : memref<10240xf32, #tpu.memory_space<vmem>> -> memref<10240xf32, #tpu.memory_space<vmem>>
        tpu.wait_dma2 semaphore(%run_scoped3A_15 : memref<!tpu.dma_semaphore, #tpu.memory_space<semaphore_mem>>) src(%dma_wait3A_25 : memref<10240xf32, #tpu.memory_space<vmem>>) dst(%dma_wait3A_23 : memref<10240xf32, #tpu.memory_space<hbm>>)
        tpu.yield
      }) : () -> ()
      "tpu.region"() ({
        %run_scoped3A_15 = tpu.sem_alloc : memref<!tpu.dma_semaphore, #tpu.memory_space<semaphore_mem>>
        %dma_start3A = arith.constant 0 : i32
        %dma_start3A_16 = tpu.memref_slice %arg16[%dma_start3A] : memref<10240xf32, #tpu.memory_space<vmem>> -> memref<10240xf32, #tpu.memory_space<vmem>>
        %dma_start3A_17 = tpu.memref_slice %arg9[%mul3A_2] : memref<320000xf32, #tpu.memory_space<hbm>> -> memref<10240xf32, #tpu.memory_space<hbm>>
        %dma_start3A_18 = tpu.memref_slice %arg9[%mul3A_2] : memref<320000xf32, #tpu.memory_space<hbm>> -> memref<10240xf32, #tpu.memory_space<hbm>>
        %dma_start3A_19 = arith.constant 0 : i32
        %dma_start3A_20 = tpu.memref_slice %arg16[%dma_start3A_19] : memref<10240xf32, #tpu.memory_space<vmem>> -> memref<10240xf32, #tpu.memory_space<vmem>>
        tpu.enqueue_dma source(%dma_start3A_20 : memref<10240xf32, #tpu.memory_space<vmem>>) target(%dma_start3A_18 : memref<10240xf32, #tpu.memory_space<hbm>>) target_semaphore(%run_scoped3A_15 : memref<!tpu.dma_semaphore, #tpu.memory_space<semaphore_mem>>)
        %dma_wait3A = arith.constant 0 : i32
        %dma_wait3A_21 = tpu.memref_slice %arg16[%dma_wait3A] : memref<10240xf32, #tpu.memory_space<vmem>> -> memref<10240xf32, #tpu.memory_space<vmem>>
        %dma_wait3A_22 = tpu.memref_slice %arg9[%mul3A_2] : memref<320000xf32, #tpu.memory_space<hbm>> -> memref<10240xf32, #tpu.memory_space<hbm>>
        %dma_wait3A_23 = tpu.memref_slice %arg9[%mul3A_2] : memref<320000xf32, #tpu.memory_space<hbm>> -> memref<10240xf32, #tpu.memory_space<hbm>>
        %dma_wait3A_24 = arith.constant 0 : i32
        %dma_wait3A_25 = tpu.memref_slice %arg16[%dma_wait3A_24] : memref<10240xf32, #tpu.memory_space<vmem>> -> memref<10240xf32, #tpu.memory_space<vmem>>
        tpu.wait_dma2 semaphore(%run_scoped3A_15 : memref<!tpu.dma_semaphore, #tpu.memory_space<semaphore_mem>>) src(%dma_wait3A_25 : memref<10240xf32, #tpu.memory_space<vmem>>) dst(%dma_wait3A_23 : memref<10240xf32, #tpu.memory_space<hbm>>)
        tpu.yield
      }) : () -> ()
    } else {
    }
    %eq3A = arith.constant 31 : i32
    %eq3A_5 = arith.cmpi eq, %add3A, %eq3A : i32
    %convert_element_type3A_6 = arith.extui %eq3A_5 : i1 to i32
    %cond3A_7 = arith.constant 0 : i32
    %cond3A_8 = arith.cmpi ne, %convert_element_type3A_6, %cond3A_7 : i32
    scf.if %cond3A_8 {
      %run_scoped3A = arith.constant 0 : i32
      "tpu.region"() ({
        %run_scoped3A_15 = tpu.sem_alloc : memref<!tpu.dma_semaphore, #tpu.memory_space<semaphore_mem>>
        %dma_start3A = arith.constant 0 : i32
        %dma_start3A_16 = tpu.memref_slice %arg13[%dma_start3A] : memref<10240xi32, #tpu.memory_space<vmem>> -> memref<2560xi32, #tpu.memory_space<vmem>>
        %dma_start3A_17 = tpu.memref_slice %arg5[%run_scoped3A, %mul3A_2] : memref<2x320000xi32, #tpu.memory_space<hbm>> -> memref<1x2560xi32, #tpu.memory_space<hbm>>
        %dma_start3A_18 = tpu.memref_squeeze %dma_start3A_17 : memref<1x2560xi32, #tpu.memory_space<hbm>> -> memref<2560xi32, #tpu.memory_space<hbm>>
        %dma_start3A_19 = arith.constant 0 : i32
        %dma_start3A_20 = tpu.memref_slice %arg13[%dma_start3A_19] : memref<10240xi32, #tpu.memory_space<vmem>> -> memref<2560xi32, #tpu.memory_space<vmem>>
        %dma_start3A_21 = tpu.memref_slice %arg5[%run_scoped3A, %mul3A_2] : memref<2x320000xi32, #tpu.memory_space<hbm>> -> memref<1x2560xi32, #tpu.memory_space<hbm>>
        %dma_start3A_22 = tpu.memref_squeeze %dma_start3A_21 : memref<1x2560xi32, #tpu.memory_space<hbm>> -> memref<2560xi32, #tpu.memory_space<hbm>>
        tpu.enqueue_dma source(%dma_start3A_22 : memref<2560xi32, #tpu.memory_space<hbm>>) target(%dma_start3A_20 : memref<2560xi32, #tpu.memory_space<vmem>>) target_semaphore(%run_scoped3A_15 : memref<!tpu.dma_semaphore, #tpu.memory_space<semaphore_mem>>)
        %dma_wait3A = arith.constant 0 : i32
        %dma_wait3A_23 = tpu.memref_slice %arg13[%dma_wait3A] : memref<10240xi32, #tpu.memory_space<vmem>> -> memref<2560xi32, #tpu.memory_space<vmem>>
        %dma_wait3A_24 = tpu.memref_slice %arg5[%run_scoped3A, %mul3A_2] : memref<2x320000xi32, #tpu.memory_space<hbm>> -> memref<1x2560xi32, #tpu.memory_space<hbm>>
        %dma_wait3A_25 = tpu.memref_squeeze %dma_wait3A_24 : memref<1x2560xi32, #tpu.memory_space<hbm>> -> memref<2560xi32, #tpu.memory_space<hbm>>
        %dma_wait3A_26 = arith.constant 0 : i32
        %dma_wait3A_27 = tpu.memref_slice %arg13[%dma_wait3A_26] : memref<10240xi32, #tpu.memory_space<vmem>> -> memref<2560xi32, #tpu.memory_space<vmem>>
        %dma_wait3A_28 = tpu.memref_slice %arg5[%run_scoped3A, %mul3A_2] : memref<2x320000xi32, #tpu.memory_space<hbm>> -> memref<1x2560xi32, #tpu.memory_space<hbm>>
        %dma_wait3A_29 = tpu.memref_squeeze %dma_wait3A_28 : memref<1x2560xi32, #tpu.memory_space<hbm>> -> memref<2560xi32, #tpu.memory_space<hbm>>
        tpu.wait_dma2 semaphore(%run_scoped3A_15 : memref<!tpu.dma_semaphore, #tpu.memory_space<semaphore_mem>>) src(%dma_wait3A_29 : memref<2560xi32, #tpu.memory_space<hbm>>) dst(%dma_wait3A_27 : memref<2560xi32, #tpu.memory_space<vmem>>)
        tpu.yield
      }) : () -> ()
      %parallel_loop3A = arith.constant 0 : i32
      %parallel_loop3A_9 = arith.constant 160 : i32
      %parallel_loop3A_10 = arith.constant 1 : i32
      scf.for %parallel_loop3A_15 = %parallel_loop3A to %parallel_loop3A_9 step %parallel_loop3A_10  : i32 {
        %parallel_loop3A_16 = arith.constant 16 : i32
        %parallel_loop3A_17 = arith.muli %parallel_loop3A_15, %parallel_loop3A_16 : i32
        %parallel_loop3A_18 = tpu.assume_multiple %parallel_loop3A_17, 16 : i32
        %parallel_loop3A_19 = arith.index_cast %parallel_loop3A_18 : i32 to index
        %parallel_loop3A_20 = tpu.vector_load %arg13[%parallel_loop3A_19] {strides = array<i32>} : memref<10240xi32, #tpu.memory_space<vmem>>, vector<16xi32>,
        %parallel_loop3A_21 = tpu.vector_load_idx %arg10[%parallel_loop3A_20] : memref<10000xf32, #tpu.memory_space<vmem>>[vector<16xi32>], vector<16xf32>,
        %parallel_loop3A_22 = arith.index_cast %parallel_loop3A_18 : i32 to index
        %parallel_loop3A_23 = tpu.vector_load %arg14[%parallel_loop3A_22] {strides = array<i32>} : memref<10240xf32, #tpu.memory_space<vmem>>, vector<16xf32>,
        tpu.vector_store %arg14[%parallel_loop3A_22], %parallel_loop3A_21 {strides = array<i32>} : memref<10240xf32, #tpu.memory_space<vmem>>, vector<16xf32>,
      } {sc.loop_unroll_factor = 8 : i64, sc.parallel_access}
      "tpu.region"() ({
        %run_scoped3A_15 = tpu.sem_alloc : memref<!tpu.dma_semaphore, #tpu.memory_space<semaphore_mem>>
        %dma_start3A = arith.constant 0 : i32
        %dma_start3A_16 = tpu.memref_slice %arg14[%dma_start3A] : memref<10240xf32, #tpu.memory_space<vmem>> -> memref<2560xf32, #tpu.memory_space<vmem>>
        %dma_start3A_17 = tpu.memref_slice %arg6[%mul3A_2] : memref<320000xf32, #tpu.memory_space<hbm>> -> memref<2560xf32, #tpu.memory_space<hbm>>
        %dma_start3A_18 = tpu.memref_slice %arg6[%mul3A_2] : memref<320000xf32, #tpu.memory_space<hbm>> -> memref<2560xf32, #tpu.memory_space<hbm>>
        %dma_start3A_19 = arith.constant 0 : i32
        %dma_start3A_20 = tpu.memref_slice %arg14[%dma_start3A_19] : memref<10240xf32, #tpu.memory_space<vmem>> -> memref<2560xf32, #tpu.memory_space<vmem>>
        tpu.enqueue_dma source(%dma_start3A_20 : memref<2560xf32, #tpu.memory_space<vmem>>) target(%dma_start3A_18 : memref<2560xf32, #tpu.memory_space<hbm>>) target_semaphore(%run_scoped3A_15 : memref<!tpu.dma_semaphore, #tpu.memory_space<semaphore_mem>>)
        %dma_wait3A = arith.constant 0 : i32
        %dma_wait3A_21 = tpu.memref_slice %arg14[%dma_wait3A] : memref<10240xf32, #tpu.memory_space<vmem>> -> memref<2560xf32, #tpu.memory_space<vmem>>
        %dma_wait3A_22 = tpu.memref_slice %arg6[%mul3A_2] : memref<320000xf32, #tpu.memory_space<hbm>> -> memref<2560xf32, #tpu.memory_space<hbm>>
        %dma_wait3A_23 = tpu.memref_slice %arg6[%mul3A_2] : memref<320000xf32, #tpu.memory_space<hbm>> -> memref<2560xf32, #tpu.memory_space<hbm>>
        %dma_wait3A_24 = arith.constant 0 : i32
        %dma_wait3A_25 = tpu.memref_slice %arg14[%dma_wait3A_24] : memref<10240xf32, #tpu.memory_space<vmem>> -> memref<2560xf32, #tpu.memory_space<vmem>>
        tpu.wait_dma2 semaphore(%run_scoped3A_15 : memref<!tpu.dma_semaphore, #tpu.memory_space<semaphore_mem>>) src(%dma_wait3A_25 : memref<2560xf32, #tpu.memory_space<vmem>>) dst(%dma_wait3A_23 : memref<2560xf32, #tpu.memory_space<hbm>>)
        tpu.yield
      }) : () -> ()
      %run_scoped3A_11 = arith.constant 1 : i32
      "tpu.region"() ({
        %run_scoped3A_15 = tpu.sem_alloc : memref<!tpu.dma_semaphore, #tpu.memory_space<semaphore_mem>>
        %dma_start3A = arith.constant 0 : i32
        %dma_start3A_16 = tpu.memref_slice %arg13[%dma_start3A] : memref<10240xi32, #tpu.memory_space<vmem>> -> memref<2560xi32, #tpu.memory_space<vmem>>
        %dma_start3A_17 = tpu.memref_slice %arg5[%run_scoped3A_11, %mul3A_2] : memref<2x320000xi32, #tpu.memory_space<hbm>> -> memref<1x2560xi32, #tpu.memory_space<hbm>>
        %dma_start3A_18 = tpu.memref_squeeze %dma_start3A_17 : memref<1x2560xi32, #tpu.memory_space<hbm>> -> memref<2560xi32, #tpu.memory_space<hbm>>
        %dma_start3A_19 = arith.constant 0 : i32
        %dma_start3A_20 = tpu.memref_slice %arg13[%dma_start3A_19] : memref<10240xi32, #tpu.memory_space<vmem>> -> memref<2560xi32, #tpu.memory_space<vmem>>
        %dma_start3A_21 = tpu.memref_slice %arg5[%run_scoped3A_11, %mul3A_2] : memref<2x320000xi32, #tpu.memory_space<hbm>> -> memref<1x2560xi32, #tpu.memory_space<hbm>>
        %dma_start3A_22 = tpu.memref_squeeze %dma_start3A_21 : memref<1x2560xi32, #tpu.memory_space<hbm>> -> memref<2560xi32, #tpu.memory_space<hbm>>
        tpu.enqueue_dma source(%dma_start3A_22 : memref<2560xi32, #tpu.memory_space<hbm>>) target(%dma_start3A_20 : memref<2560xi32, #tpu.memory_space<vmem>>) target_semaphore(%run_scoped3A_15 : memref<!tpu.dma_semaphore, #tpu.memory_space<semaphore_mem>>)
        %dma_wait3A = arith.constant 0 : i32
        %dma_wait3A_23 = tpu.memref_slice %arg13[%dma_wait3A] : memref<10240xi32, #tpu.memory_space<vmem>> -> memref<2560xi32, #tpu.memory_space<vmem>>
        %dma_wait3A_24 = tpu.memref_slice %arg5[%run_scoped3A_11, %mul3A_2] : memref<2x320000xi32, #tpu.memory_space<hbm>> -> memref<1x2560xi32, #tpu.memory_space<hbm>>
        %dma_wait3A_25 = tpu.memref_squeeze %dma_wait3A_24 : memref<1x2560xi32, #tpu.memory_space<hbm>> -> memref<2560xi32, #tpu.memory_space<hbm>>
        %dma_wait3A_26 = arith.constant 0 : i32
        %dma_wait3A_27 = tpu.memref_slice %arg13[%dma_wait3A_26] : memref<10240xi32, #tpu.memory_space<vmem>> -> memref<2560xi32, #tpu.memory_space<vmem>>
        %dma_wait3A_28 = tpu.memref_slice %arg5[%run_scoped3A_11, %mul3A_2] : memref<2x320000xi32, #tpu.memory_space<hbm>> -> memref<1x2560xi32, #tpu.memory_space<hbm>>
        %dma_wait3A_29 = tpu.memref_squeeze %dma_wait3A_28 : memref<1x2560xi32, #tpu.memory_space<hbm>> -> memref<2560xi32, #tpu.memory_space<hbm>>
        tpu.wait_dma2 semaphore(%run_scoped3A_15 : memref<!tpu.dma_semaphore, #tpu.memory_space<semaphore_mem>>) src(%dma_wait3A_29 : memref<2560xi32, #tpu.memory_space<hbm>>) dst(%dma_wait3A_27 : memref<2560xi32, #tpu.memory_space<vmem>>)
        tpu.yield
      }) : () -> ()
      %parallel_loop3A_12 = arith.constant 0 : i32
      %parallel_loop3A_13 = arith.constant 160 : i32
      %parallel_loop3A_14 = arith.constant 1 : i32
      scf.for %parallel_loop3A_15 = %parallel_loop3A_12 to %parallel_loop3A_13 step %parallel_loop3A_14  : i32 {
        %parallel_loop3A_16 = arith.constant 16 : i32
        %parallel_loop3A_17 = arith.muli %parallel_loop3A_15, %parallel_loop3A_16 : i32
        %parallel_loop3A_18 = tpu.assume_multiple %parallel_loop3A_17, 16 : i32
        %parallel_loop3A_19 = arith.index_cast %parallel_loop3A_18 : i32 to index
        %parallel_loop3A_20 = tpu.vector_load %arg13[%parallel_loop3A_19] {strides = array<i32>} : memref<10240xi32, #tpu.memory_space<vmem>>, vector<16xi32>,
        %parallel_loop3A_21 = tpu.vector_load_idx %arg10[%parallel_loop3A_20] : memref<10000xf32, #tpu.memory_space<vmem>>[vector<16xi32>], vector<16xf32>,
        %parallel_loop3A_22 = arith.index_cast %parallel_loop3A_18 : i32 to index
        %parallel_loop3A_23 = tpu.vector_load %arg14[%parallel_loop3A_22] {strides = array<i32>} : memref<10240xf32, #tpu.memory_space<vmem>>, vector<16xf32>,
        tpu.vector_store %arg14[%parallel_loop3A_22], %parallel_loop3A_21 {strides = array<i32>} : memref<10240xf32, #tpu.memory_space<vmem>>, vector<16xf32>,
        %parallel_loop3A_24 = tpu.vector_load_idx %arg11[%parallel_loop3A_20] : memref<10000xf32, #tpu.memory_space<vmem>>[vector<16xi32>], vector<16xf32>,
        %parallel_loop3A_25 = arith.index_cast %parallel_loop3A_18 : i32 to index
        %parallel_loop3A_26 = tpu.vector_load %arg15[%parallel_loop3A_25] {strides = array<i32>} : memref<10240xf32, #tpu.memory_space<vmem>>, vector<16xf32>,
        tpu.vector_store %arg15[%parallel_loop3A_25], %parallel_loop3A_24 {strides = array<i32>} : memref<10240xf32, #tpu.memory_space<vmem>>, vector<16xf32>,
        %parallel_loop3A_27 = tpu.vector_load_idx %arg12[%parallel_loop3A_20] : memref<10000xf32, #tpu.memory_space<vmem>>[vector<16xi32>], vector<16xf32>,
        %parallel_loop3A_28 = arith.index_cast %parallel_loop3A_18 : i32 to index
        %parallel_loop3A_29 = tpu.vector_load %arg16[%parallel_loop3A_28] {strides = array<i32>} : memref<10240xf32, #tpu.memory_space<vmem>>, vector<16xf32>,
        tpu.vector_store %arg16[%parallel_loop3A_28], %parallel_loop3A_27 {strides = array<i32>} : memref<10240xf32, #tpu.memory_space<vmem>>, vector<16xf32>,
      } {sc.loop_unroll_factor = 8 : i64, sc.parallel_access}
      "tpu.region"() ({
        %run_scoped3A_15 = tpu.sem_alloc : memref<!tpu.dma_semaphore, #tpu.memory_space<semaphore_mem>>
        %dma_start3A = arith.constant 0 : i32
        %dma_start3A_16 = tpu.memref_slice %arg14[%dma_start3A] : memref<10240xf32, #tpu.memory_space<vmem>> -> memref<2560xf32, #tpu.memory_space<vmem>>
        %dma_start3A_17 = tpu.memref_slice %arg7[%mul3A_2] : memref<320000xf32, #tpu.memory_space<hbm>> -> memref<2560xf32, #tpu.memory_space<hbm>>
        %dma_start3A_18 = tpu.memref_slice %arg7[%mul3A_2] : memref<320000xf32, #tpu.memory_space<hbm>> -> memref<2560xf32, #tpu.memory_space<hbm>>
        %dma_start3A_19 = arith.constant 0 : i32
        %dma_start3A_20 = tpu.memref_slice %arg14[%dma_start3A_19] : memref<10240xf32, #tpu.memory_space<vmem>> -> memref<2560xf32, #tpu.memory_space<vmem>>
        tpu.enqueue_dma source(%dma_start3A_20 : memref<2560xf32, #tpu.memory_space<vmem>>) target(%dma_start3A_18 : memref<2560xf32, #tpu.memory_space<hbm>>) target_semaphore(%run_scoped3A_15 : memref<!tpu.dma_semaphore, #tpu.memory_space<semaphore_mem>>)
        %dma_wait3A = arith.constant 0 : i32
        %dma_wait3A_21 = tpu.memref_slice %arg14[%dma_wait3A] : memref<10240xf32, #tpu.memory_space<vmem>> -> memref<2560xf32, #tpu.memory_space<vmem>>
        %dma_wait3A_22 = tpu.memref_slice %arg7[%mul3A_2] : memref<320000xf32, #tpu.memory_space<hbm>> -> memref<2560xf32, #tpu.memory_space<hbm>>
        %dma_wait3A_23 = tpu.memref_slice %arg7[%mul3A_2] : memref<320000xf32, #tpu.memory_space<hbm>> -> memref<2560xf32, #tpu.memory_space<hbm>>
        %dma_wait3A_24 = arith.constant 0 : i32
        %dma_wait3A_25 = tpu.memref_slice %arg14[%dma_wait3A_24] : memref<10240xf32, #tpu.memory_space<vmem>> -> memref<2560xf32, #tpu.memory_space<vmem>>
        tpu.wait_dma2 semaphore(%run_scoped3A_15 : memref<!tpu.dma_semaphore, #tpu.memory_space<semaphore_mem>>) src(%dma_wait3A_25 : memref<2560xf32, #tpu.memory_space<vmem>>) dst(%dma_wait3A_23 : memref<2560xf32, #tpu.memory_space<hbm>>)
        tpu.yield
      }) : () -> ()
      "tpu.region"() ({
        %run_scoped3A_15 = tpu.sem_alloc : memref<!tpu.dma_semaphore, #tpu.memory_space<semaphore_mem>>
        %dma_start3A = arith.constant 0 : i32
        %dma_start3A_16 = tpu.memref_slice %arg15[%dma_start3A] : memref<10240xf32, #tpu.memory_space<vmem>> -> memref<2560xf32, #tpu.memory_space<vmem>>
        %dma_start3A_17 = tpu.memref_slice %arg8[%mul3A_2] : memref<320000xf32, #tpu.memory_space<hbm>> -> memref<2560xf32, #tpu.memory_space<hbm>>
        %dma_start3A_18 = tpu.memref_slice %arg8[%mul3A_2] : memref<320000xf32, #tpu.memory_space<hbm>> -> memref<2560xf32, #tpu.memory_space<hbm>>
        %dma_start3A_19 = arith.constant 0 : i32
        %dma_start3A_20 = tpu.memref_slice %arg15[%dma_start3A_19] : memref<10240xf32, #tpu.memory_space<vmem>> -> memref<2560xf32, #tpu.memory_space<vmem>>
        tpu.enqueue_dma source(%dma_start3A_20 : memref<2560xf32, #tpu.memory_space<vmem>>) target(%dma_start3A_18 : memref<2560xf32, #tpu.memory_space<hbm>>) target_semaphore(%run_scoped3A_15 : memref<!tpu.dma_semaphore, #tpu.memory_space<semaphore_mem>>)
        %dma_wait3A = arith.constant 0 : i32
        %dma_wait3A_21 = tpu.memref_slice %arg15[%dma_wait3A] : memref<10240xf32, #tpu.memory_space<vmem>> -> memref<2560xf32, #tpu.memory_space<vmem>>
        %dma_wait3A_22 = tpu.memref_slice %arg8[%mul3A_2] : memref<320000xf32, #tpu.memory_space<hbm>> -> memref<2560xf32, #tpu.memory_space<hbm>>
        %dma_wait3A_23 = tpu.memref_slice %arg8[%mul3A_2] : memref<320000xf32, #tpu.memory_space<hbm>> -> memref<2560xf32, #tpu.memory_space<hbm>>
        %dma_wait3A_24 = arith.constant 0 : i32
        %dma_wait3A_25 = tpu.memref_slice %arg15[%dma_wait3A_24] : memref<10240xf32, #tpu.memory_space<vmem>> -> memref<2560xf32, #tpu.memory_space<vmem>>
        tpu.wait_dma2 semaphore(%run_scoped3A_15 : memref<!tpu.dma_semaphore, #tpu.memory_space<semaphore_mem>>) src(%dma_wait3A_25 : memref<2560xf32, #tpu.memory_space<vmem>>) dst(%dma_wait3A_23 : memref<2560xf32, #tpu.memory_space<hbm>>)
        tpu.yield
      }) : () -> ()
      "tpu.region"() ({
        %run_scoped3A_15 = tpu.sem_alloc : memref<!tpu.dma_semaphore, #tpu.memory_space<semaphore_mem>>
        %dma_start3A = arith.constant 0 : i32
        %dma_start3A_16 = tpu.memref_slice %arg16[%dma_start3A] : memref<10240xf32, #tpu.memory_space<vmem>> -> memref<2560xf32, #tpu.memory_space<vmem>>
        %dma_start3A_17 = tpu.memref_slice %arg9[%mul3A_2] : memref<320000xf32, #tpu.memory_space<hbm>> -> memref<2560xf32, #tpu.memory_space<hbm>>
        %dma_start3A_18 = tpu.memref_slice %arg9[%mul3A_2] : memref<320000xf32, #tpu.memory_space<hbm>> -> memref<2560xf32, #tpu.memory_space<hbm>>
        %dma_start3A_19 = arith.constant 0 : i32
        %dma_start3A_20 = tpu.memref_slice %arg16[%dma_start3A_19] : memref<10240xf32, #tpu.memory_space<vmem>> -> memref<2560xf32, #tpu.memory_space<vmem>>
        tpu.enqueue_dma source(%dma_start3A_20 : memref<2560xf32, #tpu.memory_space<vmem>>) target(%dma_start3A_18 : memref<2560xf32, #tpu.memory_space<hbm>>) target_semaphore(%run_scoped3A_15 : memref<!tpu.dma_semaphore, #tpu.memory_space<semaphore_mem>>)
        %dma_wait3A = arith.constant 0 : i32
        %dma_wait3A_21 = tpu.memref_slice %arg16[%dma_wait3A] : memref<10240xf32, #tpu.memory_space<vmem>> -> memref<2560xf32, #tpu.memory_space<vmem>>
        %dma_wait3A_22 = tpu.memref_slice %arg9[%mul3A_2] : memref<320000xf32, #tpu.memory_space<hbm>> -> memref<2560xf32, #tpu.memory_space<hbm>>
        %dma_wait3A_23 = tpu.memref_slice %arg9[%mul3A_2] : memref<320000xf32, #tpu.memory_space<hbm>> -> memref<2560xf32, #tpu.memory_space<hbm>>
        %dma_wait3A_24 = arith.constant 0 : i32
        %dma_wait3A_25 = tpu.memref_slice %arg16[%dma_wait3A_24] : memref<10240xf32, #tpu.memory_space<vmem>> -> memref<2560xf32, #tpu.memory_space<vmem>>
        tpu.wait_dma2 semaphore(%run_scoped3A_15 : memref<!tpu.dma_semaphore, #tpu.memory_space<semaphore_mem>>) src(%dma_wait3A_25 : memref<2560xf32, #tpu.memory_space<vmem>>) dst(%dma_wait3A_23 : memref<2560xf32, #tpu.memory_space<hbm>>)
        tpu.yield
      }) : () -> ()
    } else {
    }
    return
  }
}

module attributes {stable_mosaic.version = 14 : i64} {
  func.func @_mean_body(%arg0: i32, %arg1: memref<4000x2xf32, #tpu.memory_space<vmem>>, %arg2: memref<1x2xf32, #tpu.memory_space<smem>>) attributes {dimension_semantics = [#tpu.dimension_semantics<arbitrary>], iteration_bounds = array<i64: 80>, scalar_prefetch = 0 : i64, scratch_operands = 0 : i64, tpu.core_type = #tpu.core_type<tc>, window_params = [{transform_indices = @transform_0, window_bounds = array<i64: 4000, 2>}, {transform_indices = @transform_1, window_bounds = array<i64: 1, 2>}]} {
    %get3A = arith.constant 0 : index
    %get3A_0 = arith.constant 0 : index
    %get3A_1 = vector.load %arg1[%get3A, %get3A_0] : memref<4000x2xf32, #tpu.memory_space<vmem>>, vector<4000x2xf32>
    %reduce_sum3A = arith.constant dense<0.000000e+00> : vector<2xf32>
    %reduce_sum3A_2 = vector.multi_reduction <add>, %get3A_1, %reduce_sum3A [0] : vector<4000x2xf32> to vector<2xf32>
    %eq3A = arith.constant 0 : i32
    %eq3A_3 = arith.cmpi eq, %arg0, %eq3A : i32
    %convert_element_type3A = arith.extui %eq3A_3 : i1 to i32
    %cond3A = arith.constant 0 : i32
    %cond3A_4 = arith.cmpi ne, %convert_element_type3A, %cond3A : i32
    scf.if %cond3A_4 {
      %swap3A_19 = arith.constant 0.000000e+00 : f32
      %swap3A_20 = arith.constant 0 : index
      %swap3A_21 = arith.constant 0 : index
      %swap3A_22 = memref.load %arg2[%swap3A_20, %swap3A_21] : memref<1x2xf32, #tpu.memory_space<smem>>
      memref.store %swap3A_19, %arg2[%swap3A_20, %swap3A_21] : memref<1x2xf32, #tpu.memory_space<smem>>
      %swap3A_23 = arith.constant 0.000000e+00 : f32
      %swap3A_24 = arith.constant 0 : index
      %swap3A_25 = arith.constant 1 : index
      %swap3A_26 = memref.load %arg2[%swap3A_24, %swap3A_25] : memref<1x2xf32, #tpu.memory_space<smem>>
      memref.store %swap3A_23, %arg2[%swap3A_24, %swap3A_25] : memref<1x2xf32, #tpu.memory_space<smem>>
    } else {
    }
    %get3A_5 = arith.constant 0 : index
    %get3A_6 = arith.constant 0 : index
    %get3A_7 = memref.load %arg2[%get3A_5, %get3A_6] : memref<1x2xf32, #tpu.memory_space<smem>>
    %slice3A = vector.extract_strided_slice %reduce_sum3A_2 {offsets = [0], sizes = [1], strides = [1]} : vector<2xf32> to vector<1xf32>
    %squeeze3A = vector.extract %slice3A[0] : f32 from vector<1xf32>
    %add3A = arith.addf %get3A_7, %squeeze3A : f32
    %swap3A = arith.constant 0 : index
    %swap3A_8 = arith.constant 0 : index
    %swap3A_9 = memref.load %arg2[%swap3A, %swap3A_8] : memref<1x2xf32, #tpu.memory_space<smem>>
    memref.store %add3A, %arg2[%swap3A, %swap3A_8] : memref<1x2xf32, #tpu.memory_space<smem>>
    %get3A_10 = arith.constant 0 : index
    %get3A_11 = arith.constant 1 : index
    %get3A_12 = memref.load %arg2[%get3A_10, %get3A_11] : memref<1x2xf32, #tpu.memory_space<smem>>
    %slice3A_13 = vector.extract_strided_slice %reduce_sum3A_2 {offsets = [1], sizes = [1], strides = [1]} : vector<2xf32> to vector<1xf32>
    %squeeze3A_14 = vector.extract %slice3A_13[0] : f32 from vector<1xf32>
    %add3A_15 = arith.addf %get3A_12, %squeeze3A_14 : f32
    %swap3A_16 = arith.constant 0 : index
    %swap3A_17 = arith.constant 1 : index
    %swap3A_18 = memref.load %arg2[%swap3A_16, %swap3A_17] : memref<1x2xf32, #tpu.memory_space<smem>>
    memref.store %add3A_15, %arg2[%swap3A_16, %swap3A_17] : memref<1x2xf32, #tpu.memory_space<smem>>
    return
  }
  func.func @transform_0(%arg0: i32) -> (i32, i32) {
    %c0_i32 = arith.constant 0 : i32
    %c0_i32_0 = arith.constant 0 : i32
    return %arg0, %c0_i32 : i32, i32
  }
  func.func @transform_1(%arg0: i32) -> (i32, i32) {
    %c0_i32 = arith.constant 0 : i32
    %c0_i32_0 = arith.constant 0 : i32
    %c0_i32_1 = arith.constant 0 : i32
    return %c0_i32, %c0_i32_0 : i32, i32
  }
}

module attributes {stable_mosaic.version = 14 : i64} {
  func.func @_aself_body(%arg0: memref<1x2xf32, #tpu.memory_space<smem>>, %arg1: memref<10000x1xf32, #tpu.memory_space<vmem>>, %arg2: memref<4x128xf32, #tpu.memory_space<vmem>>, %arg3: memref<128x2xf32, #tpu.memory_space<vmem>>, %arg4: memref<10000x1xf32, #tpu.memory_space<vmem>>, %arg5: memref<10000x1xf32, #tpu.memory_space<vmem>>) attributes {dimension_semantics = [], scalar_prefetch = 0 : i64, scratch_operands = 0 : i64, tpu.core_type = #tpu.core_type<tc>} {
    %get3A = arith.constant 0 : index
    %get3A_0 = arith.constant 0 : index
    %get3A_1 = memref.load %arg0[%get3A, %get3A_0] : memref<1x2xf32, #tpu.memory_space<smem>>
    %mul3A = arith.constant 3.125000e-06 : f32
    %mul3A_2 = arith.mulf %get3A_1, %mul3A : f32
    %get3A_3 = arith.constant 0 : index
    %get3A_4 = arith.constant 1 : index
    %get3A_5 = memref.load %arg0[%get3A_3, %get3A_4] : memref<1x2xf32, #tpu.memory_space<smem>>
    %mul3A_6 = arith.constant 3.125000e-06 : f32
    %mul3A_7 = arith.mulf %get3A_5, %mul3A_6 : f32
    %get3A_8 = arith.constant 0 : index
    %get3A_9 = arith.constant 0 : index
    %get3A_10 = vector.load %arg1[%get3A_8, %get3A_9] : memref<10000x1xf32, #tpu.memory_space<vmem>>, vector<10000x1xf32>
    %broadcast_in_dim3A = arith.constant 1.000000e+00 : f32
    %broadcast_in_dim3A_11 = vector.broadcast %broadcast_in_dim3A : f32 to vector<10000x1xf32>
    %mul3A_12 = vector.broadcast %mul3A_2 : f32 to vector<10000x1xf32>
    %mul3A_13 = arith.mulf %mul3A_12, %broadcast_in_dim3A_11 : vector<10000x1xf32>
    %mul3A_14 = vector.broadcast %mul3A_7 : f32 to vector<10000x1xf32>
    %mul3A_15 = arith.mulf %mul3A_14, %broadcast_in_dim3A_11 : vector<10000x1xf32>
    %concatenate3A = tpu.concatenate %get3A_10, %broadcast_in_dim3A_11, %mul3A_13, %mul3A_15 in 1 : vector<10000x1xf32>, vector<10000x1xf32>, vector<10000x1xf32>, vector<10000x1xf32> -> vector<10000x4xf32>
    %get3A_16 = arith.constant 0 : index
    %get3A_17 = arith.constant 0 : index
    %get3A_18 = vector.load %arg2[%get3A_16, %get3A_17] : memref<4x128xf32, #tpu.memory_space<vmem>>, vector<4x128xf32>
    %dot_general3A = arith.constant dense<0.000000e+00> : vector<10000x128xf32>
    %dot_general3A_19 = tpu.matmul %concatenate3A, %get3A_18, %dot_general3A {dimension_numbers = #tpu.dot_dimension_numbers<[1], [0], [0], [1], [0, 0, 1, 1], [], []>, transpose_lhs_hint = false} : vector<10000x4xf32>, vector<4x128xf32>, vector<10000x128xf32> -> vector<10000x128xf32>
    %ge3A = arith.constant 0.000000e+00 : f32
    %ge3A_20 = vector.broadcast %ge3A : f32 to vector<10000x128xf32>
    %ge3A_21 = arith.cmpf oge, %dot_general3A_19, %ge3A_20 : vector<10000x128xf32>
    %mul3A_22 = arith.constant 2.000000e-01 : f32
    %mul3A_23 = vector.broadcast %mul3A_22 : f32 to vector<10000x128xf32>
    %mul3A_24 = arith.mulf %mul3A_23, %dot_general3A_19 : vector<10000x128xf32>
    %select_n3A = arith.select %ge3A_21, %dot_general3A_19, %mul3A_24 : vector<10000x128xi1>, vector<10000x128xf32>
    %get3A_25 = arith.constant 0 : index
    %get3A_26 = arith.constant 0 : index
    %get3A_27 = vector.load %arg3[%get3A_25, %get3A_26] : memref<128x2xf32, #tpu.memory_space<vmem>>, vector<128x2xf32>
    %dot_general3A_28 = arith.constant dense<0.000000e+00> : vector<10000x2xf32>
    %dot_general3A_29 = tpu.matmul %select_n3A, %get3A_27, %dot_general3A_28 {dimension_numbers = #tpu.dot_dimension_numbers<[1], [0], [0], [1], [0, 0, 1, 1], [], []>, transpose_lhs_hint = false} : vector<10000x128xf32>, vector<128x2xf32>, vector<10000x2xf32> -> vector<10000x2xf32>
    %slice3A = vector.extract_strided_slice %dot_general3A_29 {offsets = [0, 0], sizes = [10000, 1], strides = [1, 1]} : vector<10000x2xf32> to vector<10000x1xf32>
    %swap3A = arith.constant 0 : index
    %swap3A_30 = arith.constant 0 : index
    %swap3A_31 = vector.load %arg4[%swap3A, %swap3A_30] : memref<10000x1xf32, #tpu.memory_space<vmem>>, vector<10000x1xf32>
    tpu.vector_store %arg4[%swap3A, %swap3A_30], %slice3A {strides = array<i32>} : memref<10000x1xf32, #tpu.memory_space<vmem>>, vector<10000x1xf32>,
    %slice3A_32 = vector.extract_strided_slice %dot_general3A_29 {offsets = [0, 1], sizes = [10000, 1], strides = [1, 1]} : vector<10000x2xf32> to vector<10000x1xf32>
    %swap3A_33 = arith.constant 0 : index
    %swap3A_34 = arith.constant 0 : index
    %swap3A_35 = vector.load %arg5[%swap3A_33, %swap3A_34] : memref<10000x1xf32, #tpu.memory_space<vmem>>, vector<10000x1xf32>
    tpu.vector_store %arg5[%swap3A_33, %swap3A_34], %slice3A_32 {strides = array<i32>} : memref<10000x1xf32, #tpu.memory_space<vmem>>, vector<10000x1xf32>,
    return
  }
}

module attributes {stable_mosaic.version = 14 : i64} {
  func.func @_edge_body(%arg0: i32, %arg1: memref<8x128xf32, #tpu.memory_space<vmem>>, %arg2: memref<128x2xf32, #tpu.memory_space<vmem>>, %arg3: memref<4096x1xf32, #tpu.memory_space<vmem>>, %arg4: memref<4096x1xf32, #tpu.memory_space<vmem>>, %arg5: memref<4096x1xf32, #tpu.memory_space<vmem>>, %arg6: memref<4096x1xf32, #tpu.memory_space<vmem>>, %arg7: memref<4096x2xf32, #tpu.memory_space<vmem>>, %arg8: memref<4096x1xf32, #tpu.memory_space<vmem>>, %arg9: memref<4096x1xf32, #tpu.memory_space<vmem>>) attributes {dimension_semantics = [#tpu.dimension_semantics<arbitrary>], iteration_bounds = array<i64: 79>, scalar_prefetch = 0 : i64, scratch_operands = 0 : i64, tpu.core_type = #tpu.core_type<tc>, window_params = [{pipeline_mode = #tpu.pipeline_mode<synchronous>, transform_indices = @transform_0, window_bounds = array<i64: 8, 128>}, {pipeline_mode = #tpu.pipeline_mode<synchronous>, transform_indices = @transform_1, window_bounds = array<i64: 128, 2>}, {transform_indices = @transform_2, window_bounds = array<i64: 4096, 1>}, {transform_indices = @transform_3, window_bounds = array<i64: 4096, 1>}, {transform_indices = @transform_4, window_bounds = array<i64: 4096, 1>}, {transform_indices = @transform_5, window_bounds = array<i64: 4096, 1>}, {transform_indices = @transform_6, window_bounds = array<i64: 4096, 2>}, {transform_indices = @transform_7, window_bounds = array<i64: 4096, 1>}, {transform_indices = @transform_8, window_bounds = array<i64: 4096, 1>}]} {
    %get3A = arith.constant 0 : index
    %get3A_0 = arith.constant 0 : index
    %get3A_1 = vector.load %arg3[%get3A, %get3A_0] : memref<4096x1xf32, #tpu.memory_space<vmem>>, vector<4096x1xf32>
    %get3A_2 = arith.constant 0 : index
    %get3A_3 = arith.constant 0 : index
    %get3A_4 = vector.load %arg4[%get3A_2, %get3A_3] : memref<4096x1xf32, #tpu.memory_space<vmem>>, vector<4096x1xf32>
    %get3A_5 = arith.constant 0 : index
    %get3A_6 = arith.constant 0 : index
    %get3A_7 = vector.load %arg7[%get3A_5, %get3A_6] : memref<4096x2xf32, #tpu.memory_space<vmem>>, vector<4096x2xf32>
    %broadcast_in_dim3A = arith.constant 1.000000e+00 : f32
    %broadcast_in_dim3A_8 = vector.broadcast %broadcast_in_dim3A : f32 to vector<4096x1xf32>
    %broadcast_in_dim3A_9 = arith.constant 0.000000e+00 : f32
    %broadcast_in_dim3A_10 = vector.broadcast %broadcast_in_dim3A_9 : f32 to vector<4096x3xf32>
    %concatenate3A = tpu.concatenate %get3A_1, %get3A_4, %get3A_7, %broadcast_in_dim3A_8, %broadcast_in_dim3A_10 in 1 : vector<4096x1xf32>, vector<4096x1xf32>, vector<4096x2xf32>, vector<4096x1xf32>, vector<4096x3xf32> -> vector<4096x8xf32>
    %get3A_11 = arith.constant 0 : index
    %get3A_12 = arith.constant 0 : index
    %get3A_13 = vector.load %arg1[%get3A_11, %get3A_12] : memref<8x128xf32, #tpu.memory_space<vmem>>, vector<8x128xf32>
    %dot_general3A = arith.constant dense<0.000000e+00> : vector<4096x128xf32>
    %dot_general3A_14 = tpu.matmul %concatenate3A, %get3A_13, %dot_general3A {dimension_numbers = #tpu.dot_dimension_numbers<[1], [0], [0], [1], [0, 0, 1, 1], [], []>, transpose_lhs_hint = false} : vector<4096x8xf32>, vector<8x128xf32>, vector<4096x128xf32> -> vector<4096x128xf32>
    %ge3A = arith.constant 0.000000e+00 : f32
    %ge3A_15 = vector.broadcast %ge3A : f32 to vector<4096x128xf32>
    %ge3A_16 = arith.cmpf oge, %dot_general3A_14, %ge3A_15 : vector<4096x128xf32>
    %mul3A = arith.constant 2.000000e-01 : f32
    %mul3A_17 = vector.broadcast %mul3A : f32 to vector<4096x128xf32>
    %mul3A_18 = arith.mulf %mul3A_17, %dot_general3A_14 : vector<4096x128xf32>
    %select_n3A = arith.select %ge3A_16, %dot_general3A_14, %mul3A_18 : vector<4096x128xi1>, vector<4096x128xf32>
    %get3A_19 = arith.constant 0 : index
    %get3A_20 = arith.constant 0 : index
    %get3A_21 = vector.load %arg2[%get3A_19, %get3A_20] : memref<128x2xf32, #tpu.memory_space<vmem>>, vector<128x2xf32>
    %dot_general3A_22 = arith.constant dense<0.000000e+00> : vector<4096x2xf32>
    %dot_general3A_23 = tpu.matmul %select_n3A, %get3A_21, %dot_general3A_22 {dimension_numbers = #tpu.dot_dimension_numbers<[1], [0], [0], [1], [0, 0, 1, 1], [], []>, transpose_lhs_hint = false} : vector<4096x128xf32>, vector<128x2xf32>, vector<4096x2xf32> -> vector<4096x2xf32>
    %slice3A = vector.extract_strided_slice %dot_general3A_23 {offsets = [0, 0], sizes = [4096, 1], strides = [1, 1]} : vector<4096x2xf32> to vector<4096x1xf32>
    %get3A_24 = arith.constant 0 : index
    %get3A_25 = arith.constant 0 : index
    %get3A_26 = vector.load %arg5[%get3A_24, %get3A_25] : memref<4096x1xf32, #tpu.memory_space<vmem>>, vector<4096x1xf32>
    %sub3A = arith.subf %slice3A, %get3A_26 : vector<4096x1xf32>
    %exp3A = math.exp %sub3A : vector<4096x1xf32>
    %swap3A = arith.constant 0 : index
    %swap3A_27 = arith.constant 0 : index
    %swap3A_28 = vector.load %arg8[%swap3A, %swap3A_27] : memref<4096x1xf32, #tpu.memory_space<vmem>>, vector<4096x1xf32>
    tpu.vector_store %arg8[%swap3A, %swap3A_27], %exp3A {strides = array<i32>} : memref<4096x1xf32, #tpu.memory_space<vmem>>, vector<4096x1xf32>,
    %slice3A_29 = vector.extract_strided_slice %dot_general3A_23 {offsets = [0, 1], sizes = [4096, 1], strides = [1, 1]} : vector<4096x2xf32> to vector<4096x1xf32>
    %get3A_30 = arith.constant 0 : index
    %get3A_31 = arith.constant 0 : index
    %get3A_32 = vector.load %arg6[%get3A_30, %get3A_31] : memref<4096x1xf32, #tpu.memory_space<vmem>>, vector<4096x1xf32>
    %sub3A_33 = arith.subf %slice3A_29, %get3A_32 : vector<4096x1xf32>
    %exp3A_34 = math.exp %sub3A_33 : vector<4096x1xf32>
    %swap3A_35 = arith.constant 0 : index
    %swap3A_36 = arith.constant 0 : index
    %swap3A_37 = vector.load %arg9[%swap3A_35, %swap3A_36] : memref<4096x1xf32, #tpu.memory_space<vmem>>, vector<4096x1xf32>
    tpu.vector_store %arg9[%swap3A_35, %swap3A_36], %exp3A_34 {strides = array<i32>} : memref<4096x1xf32, #tpu.memory_space<vmem>>, vector<4096x1xf32>,
    return
  }
  func.func @transform_0(%arg0: i32) -> (i32, i32) {
    %c0_i32 = arith.constant 0 : i32
    %c0_i32_0 = arith.constant 0 : i32
    %c0_i32_1 = arith.constant 0 : i32
    return %c0_i32, %c0_i32_0 : i32, i32
  }
  func.func @transform_1(%arg0: i32) -> (i32, i32) {
    %c0_i32 = arith.constant 0 : i32
    %c0_i32_0 = arith.constant 0 : i32
    %c0_i32_1 = arith.constant 0 : i32
    return %c0_i32, %c0_i32_0 : i32, i32
  }
  func.func @transform_2(%arg0: i32) -> (i32, i32) {
    %c0_i32 = arith.constant 0 : i32
    %c0_i32_0 = arith.constant 0 : i32
    return %arg0, %c0_i32 : i32, i32
  }
  func.func @transform_3(%arg0: i32) -> (i32, i32) {
    %c0_i32 = arith.constant 0 : i32
    %c0_i32_0 = arith.constant 0 : i32
    return %arg0, %c0_i32 : i32, i32
  }
  func.func @transform_4(%arg0: i32) -> (i32, i32) {
    %c0_i32 = arith.constant 0 : i32
    %c0_i32_0 = arith.constant 0 : i32
    return %arg0, %c0_i32 : i32, i32
  }
  func.func @transform_5(%arg0: i32) -> (i32, i32) {
    %c0_i32 = arith.constant 0 : i32
    %c0_i32_0 = arith.constant 0 : i32
    return %arg0, %c0_i32 : i32, i32
  }
  func.func @transform_6(%arg0: i32) -> (i32, i32) {
    %c0_i32 = arith.constant 0 : i32
    %c0_i32_0 = arith.constant 0 : i32
    return %arg0, %c0_i32 : i32, i32
  }
  func.func @transform_7(%arg0: i32) -> (i32, i32) {
    %c0_i32 = arith.constant 0 : i32
    %c0_i32_0 = arith.constant 0 : i32
    return %arg0, %c0_i32 : i32, i32
  }
  func.func @transform_8(%arg0: i32) -> (i32, i32) {
    %c0_i32 = arith.constant 0 : i32
    %c0_i32_0 = arith.constant 0 : i32
    return %arg0, %c0_i32 : i32, i32
  }
}

module attributes {stable_mosaic.version = 14 : i64} {
  func.func @_final_body(%arg0: memref<32x4x10000xf32, #tpu.memory_space<vmem>>, %arg1: memref<1x10000xf32, #tpu.memory_space<vmem>>, %arg2: memref<2x21xf32, #tpu.memory_space<vmem>>, %arg3: memref<1x21xf32, #tpu.memory_space<vmem>>, %arg4: memref<10000x21xf32, #tpu.memory_space<vmem>>) attributes {dimension_semantics = [], scalar_prefetch = 0 : i64, scratch_operands = 0 : i64, tpu.core_type = #tpu.core_type<tc>} {
    %get3A = arith.constant 0 : index
    %get3A_0 = arith.constant 0 : index
    %get3A_1 = arith.constant 0 : index
    %get3A_2 = vector.load %arg0[%get3A, %get3A_0, %get3A_1] : memref<32x4x10000xf32, #tpu.memory_space<vmem>>, vector<1x4x10000xf32>
    %get3A_3 = vector.shape_cast %get3A_2 : vector<1x4x10000xf32> to vector<4x10000xf32>
    %get3A_4 = arith.constant 1 : index
    %get3A_5 = arith.constant 0 : index
    %get3A_6 = arith.constant 0 : index
    %get3A_7 = vector.load %arg0[%get3A_4, %get3A_5, %get3A_6] : memref<32x4x10000xf32, #tpu.memory_space<vmem>>, vector<1x4x10000xf32>
    %get3A_8 = vector.shape_cast %get3A_7 : vector<1x4x10000xf32> to vector<4x10000xf32>
    %add3A = arith.addf %get3A_3, %get3A_8 : vector<4x10000xf32>
    %get3A_9 = arith.constant 2 : index
    %get3A_10 = arith.constant 0 : index
    %get3A_11 = arith.constant 0 : index
    %get3A_12 = vector.load %arg0[%get3A_9, %get3A_10, %get3A_11] : memref<32x4x10000xf32, #tpu.memory_space<vmem>>, vector<1x4x10000xf32>
    %get3A_13 = vector.shape_cast %get3A_12 : vector<1x4x10000xf32> to vector<4x10000xf32>
    %add3A_14 = arith.addf %add3A, %get3A_13 : vector<4x10000xf32>
    %get3A_15 = arith.constant 3 : index
    %get3A_16 = arith.constant 0 : index
    %get3A_17 = arith.constant 0 : index
    %get3A_18 = vector.load %arg0[%get3A_15, %get3A_16, %get3A_17] : memref<32x4x10000xf32, #tpu.memory_space<vmem>>, vector<1x4x10000xf32>
    %get3A_19 = vector.shape_cast %get3A_18 : vector<1x4x10000xf32> to vector<4x10000xf32>
    %add3A_20 = arith.addf %add3A_14, %get3A_19 : vector<4x10000xf32>
    %get3A_21 = arith.constant 4 : index
    %get3A_22 = arith.constant 0 : index
    %get3A_23 = arith.constant 0 : index
    %get3A_24 = vector.load %arg0[%get3A_21, %get3A_22, %get3A_23] : memref<32x4x10000xf32, #tpu.memory_space<vmem>>, vector<1x4x10000xf32>
    %get3A_25 = vector.shape_cast %get3A_24 : vector<1x4x10000xf32> to vector<4x10000xf32>
    %add3A_26 = arith.addf %add3A_20, %get3A_25 : vector<4x10000xf32>
    %get3A_27 = arith.constant 5 : index
    %get3A_28 = arith.constant 0 : index
    %get3A_29 = arith.constant 0 : index
    %get3A_30 = vector.load %arg0[%get3A_27, %get3A_28, %get3A_29] : memref<32x4x10000xf32, #tpu.memory_space<vmem>>, vector<1x4x10000xf32>
    %get3A_31 = vector.shape_cast %get3A_30 : vector<1x4x10000xf32> to vector<4x10000xf32>
    %add3A_32 = arith.addf %add3A_26, %get3A_31 : vector<4x10000xf32>
    %get3A_33 = arith.constant 6 : index
    %get3A_34 = arith.constant 0 : index
    %get3A_35 = arith.constant 0 : index
    %get3A_36 = vector.load %arg0[%get3A_33, %get3A_34, %get3A_35] : memref<32x4x10000xf32, #tpu.memory_space<vmem>>, vector<1x4x10000xf32>
    %get3A_37 = vector.shape_cast %get3A_36 : vector<1x4x10000xf32> to vector<4x10000xf32>
    %add3A_38 = arith.addf %add3A_32, %get3A_37 : vector<4x10000xf32>
    %get3A_39 = arith.constant 7 : index
    %get3A_40 = arith.constant 0 : index
    %get3A_41 = arith.constant 0 : index
    %get3A_42 = vector.load %arg0[%get3A_39, %get3A_40, %get3A_41] : memref<32x4x10000xf32, #tpu.memory_space<vmem>>, vector<1x4x10000xf32>
    %get3A_43 = vector.shape_cast %get3A_42 : vector<1x4x10000xf32> to vector<4x10000xf32>
    %add3A_44 = arith.addf %add3A_38, %get3A_43 : vector<4x10000xf32>
    %get3A_45 = arith.constant 8 : index
    %get3A_46 = arith.constant 0 : index
    %get3A_47 = arith.constant 0 : index
    %get3A_48 = vector.load %arg0[%get3A_45, %get3A_46, %get3A_47] : memref<32x4x10000xf32, #tpu.memory_space<vmem>>, vector<1x4x10000xf32>
    %get3A_49 = vector.shape_cast %get3A_48 : vector<1x4x10000xf32> to vector<4x10000xf32>
    %add3A_50 = arith.addf %add3A_44, %get3A_49 : vector<4x10000xf32>
    %get3A_51 = arith.constant 9 : index
    %get3A_52 = arith.constant 0 : index
    %get3A_53 = arith.constant 0 : index
    %get3A_54 = vector.load %arg0[%get3A_51, %get3A_52, %get3A_53] : memref<32x4x10000xf32, #tpu.memory_space<vmem>>, vector<1x4x10000xf32>
    %get3A_55 = vector.shape_cast %get3A_54 : vector<1x4x10000xf32> to vector<4x10000xf32>
    %add3A_56 = arith.addf %add3A_50, %get3A_55 : vector<4x10000xf32>
    %get3A_57 = arith.constant 10 : index
    %get3A_58 = arith.constant 0 : index
    %get3A_59 = arith.constant 0 : index
    %get3A_60 = vector.load %arg0[%get3A_57, %get3A_58, %get3A_59] : memref<32x4x10000xf32, #tpu.memory_space<vmem>>, vector<1x4x10000xf32>
    %get3A_61 = vector.shape_cast %get3A_60 : vector<1x4x10000xf32> to vector<4x10000xf32>
    %add3A_62 = arith.addf %add3A_56, %get3A_61 : vector<4x10000xf32>
    %get3A_63 = arith.constant 11 : index
    %get3A_64 = arith.constant 0 : index
    %get3A_65 = arith.constant 0 : index
    %get3A_66 = vector.load %arg0[%get3A_63, %get3A_64, %get3A_65] : memref<32x4x10000xf32, #tpu.memory_space<vmem>>, vector<1x4x10000xf32>
    %get3A_67 = vector.shape_cast %get3A_66 : vector<1x4x10000xf32> to vector<4x10000xf32>
    %add3A_68 = arith.addf %add3A_62, %get3A_67 : vector<4x10000xf32>
    %get3A_69 = arith.constant 12 : index
    %get3A_70 = arith.constant 0 : index
    %get3A_71 = arith.constant 0 : index
    %get3A_72 = vector.load %arg0[%get3A_69, %get3A_70, %get3A_71] : memref<32x4x10000xf32, #tpu.memory_space<vmem>>, vector<1x4x10000xf32>
    %get3A_73 = vector.shape_cast %get3A_72 : vector<1x4x10000xf32> to vector<4x10000xf32>
    %add3A_74 = arith.addf %add3A_68, %get3A_73 : vector<4x10000xf32>
    %get3A_75 = arith.constant 13 : index
    %get3A_76 = arith.constant 0 : index
    %get3A_77 = arith.constant 0 : index
    %get3A_78 = vector.load %arg0[%get3A_75, %get3A_76, %get3A_77] : memref<32x4x10000xf32, #tpu.memory_space<vmem>>, vector<1x4x10000xf32>
    %get3A_79 = vector.shape_cast %get3A_78 : vector<1x4x10000xf32> to vector<4x10000xf32>
    %add3A_80 = arith.addf %add3A_74, %get3A_79 : vector<4x10000xf32>
    %get3A_81 = arith.constant 14 : index
    %get3A_82 = arith.constant 0 : index
    %get3A_83 = arith.constant 0 : index
    %get3A_84 = vector.load %arg0[%get3A_81, %get3A_82, %get3A_83] : memref<32x4x10000xf32, #tpu.memory_space<vmem>>, vector<1x4x10000xf32>
    %get3A_85 = vector.shape_cast %get3A_84 : vector<1x4x10000xf32> to vector<4x10000xf32>
    %add3A_86 = arith.addf %add3A_80, %get3A_85 : vector<4x10000xf32>
    %get3A_87 = arith.constant 15 : index
    %get3A_88 = arith.constant 0 : index
    %get3A_89 = arith.constant 0 : index
    %get3A_90 = vector.load %arg0[%get3A_87, %get3A_88, %get3A_89] : memref<32x4x10000xf32, #tpu.memory_space<vmem>>, vector<1x4x10000xf32>
    %get3A_91 = vector.shape_cast %get3A_90 : vector<1x4x10000xf32> to vector<4x10000xf32>
    %add3A_92 = arith.addf %add3A_86, %get3A_91 : vector<4x10000xf32>
    %get3A_93 = arith.constant 16 : index
    %get3A_94 = arith.constant 0 : index
    %get3A_95 = arith.constant 0 : index
    %get3A_96 = vector.load %arg0[%get3A_93, %get3A_94, %get3A_95] : memref<32x4x10000xf32, #tpu.memory_space<vmem>>, vector<1x4x10000xf32>
    %get3A_97 = vector.shape_cast %get3A_96 : vector<1x4x10000xf32> to vector<4x10000xf32>
    %add3A_98 = arith.addf %add3A_92, %get3A_97 : vector<4x10000xf32>
    %get3A_99 = arith.constant 17 : index
    %get3A_100 = arith.constant 0 : index
    %get3A_101 = arith.constant 0 : index
    %get3A_102 = vector.load %arg0[%get3A_99, %get3A_100, %get3A_101] : memref<32x4x10000xf32, #tpu.memory_space<vmem>>, vector<1x4x10000xf32>
    %get3A_103 = vector.shape_cast %get3A_102 : vector<1x4x10000xf32> to vector<4x10000xf32>
    %add3A_104 = arith.addf %add3A_98, %get3A_103 : vector<4x10000xf32>
    %get3A_105 = arith.constant 18 : index
    %get3A_106 = arith.constant 0 : index
    %get3A_107 = arith.constant 0 : index
    %get3A_108 = vector.load %arg0[%get3A_105, %get3A_106, %get3A_107] : memref<32x4x10000xf32, #tpu.memory_space<vmem>>, vector<1x4x10000xf32>
    %get3A_109 = vector.shape_cast %get3A_108 : vector<1x4x10000xf32> to vector<4x10000xf32>
    %add3A_110 = arith.addf %add3A_104, %get3A_109 : vector<4x10000xf32>
    %get3A_111 = arith.constant 19 : index
    %get3A_112 = arith.constant 0 : index
    %get3A_113 = arith.constant 0 : index
    %get3A_114 = vector.load %arg0[%get3A_111, %get3A_112, %get3A_113] : memref<32x4x10000xf32, #tpu.memory_space<vmem>>, vector<1x4x10000xf32>
    %get3A_115 = vector.shape_cast %get3A_114 : vector<1x4x10000xf32> to vector<4x10000xf32>
    %add3A_116 = arith.addf %add3A_110, %get3A_115 : vector<4x10000xf32>
    %get3A_117 = arith.constant 20 : index
    %get3A_118 = arith.constant 0 : index
    %get3A_119 = arith.constant 0 : index
    %get3A_120 = vector.load %arg0[%get3A_117, %get3A_118, %get3A_119] : memref<32x4x10000xf32, #tpu.memory_space<vmem>>, vector<1x4x10000xf32>
    %get3A_121 = vector.shape_cast %get3A_120 : vector<1x4x10000xf32> to vector<4x10000xf32>
    %add3A_122 = arith.addf %add3A_116, %get3A_121 : vector<4x10000xf32>
    %get3A_123 = arith.constant 21 : index
    %get3A_124 = arith.constant 0 : index
    %get3A_125 = arith.constant 0 : index
    %get3A_126 = vector.load %arg0[%get3A_123, %get3A_124, %get3A_125] : memref<32x4x10000xf32, #tpu.memory_space<vmem>>, vector<1x4x10000xf32>
    %get3A_127 = vector.shape_cast %get3A_126 : vector<1x4x10000xf32> to vector<4x10000xf32>
    %add3A_128 = arith.addf %add3A_122, %get3A_127 : vector<4x10000xf32>
    %get3A_129 = arith.constant 22 : index
    %get3A_130 = arith.constant 0 : index
    %get3A_131 = arith.constant 0 : index
    %get3A_132 = vector.load %arg0[%get3A_129, %get3A_130, %get3A_131] : memref<32x4x10000xf32, #tpu.memory_space<vmem>>, vector<1x4x10000xf32>
    %get3A_133 = vector.shape_cast %get3A_132 : vector<1x4x10000xf32> to vector<4x10000xf32>
    %add3A_134 = arith.addf %add3A_128, %get3A_133 : vector<4x10000xf32>
    %get3A_135 = arith.constant 23 : index
    %get3A_136 = arith.constant 0 : index
    %get3A_137 = arith.constant 0 : index
    %get3A_138 = vector.load %arg0[%get3A_135, %get3A_136, %get3A_137] : memref<32x4x10000xf32, #tpu.memory_space<vmem>>, vector<1x4x10000xf32>
    %get3A_139 = vector.shape_cast %get3A_138 : vector<1x4x10000xf32> to vector<4x10000xf32>
    %add3A_140 = arith.addf %add3A_134, %get3A_139 : vector<4x10000xf32>
    %get3A_141 = arith.constant 24 : index
    %get3A_142 = arith.constant 0 : index
    %get3A_143 = arith.constant 0 : index
    %get3A_144 = vector.load %arg0[%get3A_141, %get3A_142, %get3A_143] : memref<32x4x10000xf32, #tpu.memory_space<vmem>>, vector<1x4x10000xf32>
    %get3A_145 = vector.shape_cast %get3A_144 : vector<1x4x10000xf32> to vector<4x10000xf32>
    %add3A_146 = arith.addf %add3A_140, %get3A_145 : vector<4x10000xf32>
    %get3A_147 = arith.constant 25 : index
    %get3A_148 = arith.constant 0 : index
    %get3A_149 = arith.constant 0 : index
    %get3A_150 = vector.load %arg0[%get3A_147, %get3A_148, %get3A_149] : memref<32x4x10000xf32, #tpu.memory_space<vmem>>, vector<1x4x10000xf32>
    %get3A_151 = vector.shape_cast %get3A_150 : vector<1x4x10000xf32> to vector<4x10000xf32>
    %add3A_152 = arith.addf %add3A_146, %get3A_151 : vector<4x10000xf32>
    %get3A_153 = arith.constant 26 : index
    %get3A_154 = arith.constant 0 : index
    %get3A_155 = arith.constant 0 : index
    %get3A_156 = vector.load %arg0[%get3A_153, %get3A_154, %get3A_155] : memref<32x4x10000xf32, #tpu.memory_space<vmem>>, vector<1x4x10000xf32>
    %get3A_157 = vector.shape_cast %get3A_156 : vector<1x4x10000xf32> to vector<4x10000xf32>
    %add3A_158 = arith.addf %add3A_152, %get3A_157 : vector<4x10000xf32>
    %get3A_159 = arith.constant 27 : index
    %get3A_160 = arith.constant 0 : index
    %get3A_161 = arith.constant 0 : index
    %get3A_162 = vector.load %arg0[%get3A_159, %get3A_160, %get3A_161] : memref<32x4x10000xf32, #tpu.memory_space<vmem>>, vector<1x4x10000xf32>
    %get3A_163 = vector.shape_cast %get3A_162 : vector<1x4x10000xf32> to vector<4x10000xf32>
    %add3A_164 = arith.addf %add3A_158, %get3A_163 : vector<4x10000xf32>
    %get3A_165 = arith.constant 28 : index
    %get3A_166 = arith.constant 0 : index
    %get3A_167 = arith.constant 0 : index
    %get3A_168 = vector.load %arg0[%get3A_165, %get3A_166, %get3A_167] : memref<32x4x10000xf32, #tpu.memory_space<vmem>>, vector<1x4x10000xf32>
    %get3A_169 = vector.shape_cast %get3A_168 : vector<1x4x10000xf32> to vector<4x10000xf32>
    %add3A_170 = arith.addf %add3A_164, %get3A_169 : vector<4x10000xf32>
    %get3A_171 = arith.constant 29 : index
    %get3A_172 = arith.constant 0 : index
    %get3A_173 = arith.constant 0 : index
    %get3A_174 = vector.load %arg0[%get3A_171, %get3A_172, %get3A_173] : memref<32x4x10000xf32, #tpu.memory_space<vmem>>, vector<1x4x10000xf32>
    %get3A_175 = vector.shape_cast %get3A_174 : vector<1x4x10000xf32> to vector<4x10000xf32>
    %add3A_176 = arith.addf %add3A_170, %get3A_175 : vector<4x10000xf32>
    %get3A_177 = arith.constant 30 : index
    %get3A_178 = arith.constant 0 : index
    %get3A_179 = arith.constant 0 : index
    %get3A_180 = vector.load %arg0[%get3A_177, %get3A_178, %get3A_179] : memref<32x4x10000xf32, #tpu.memory_space<vmem>>, vector<1x4x10000xf32>
    %get3A_181 = vector.shape_cast %get3A_180 : vector<1x4x10000xf32> to vector<4x10000xf32>
    %add3A_182 = arith.addf %add3A_176, %get3A_181 : vector<4x10000xf32>
    %get3A_183 = arith.constant 31 : index
    %get3A_184 = arith.constant 0 : index
    %get3A_185 = arith.constant 0 : index
    %get3A_186 = vector.load %arg0[%get3A_183, %get3A_184, %get3A_185] : memref<32x4x10000xf32, #tpu.memory_space<vmem>>, vector<1x4x10000xf32>
    %get3A_187 = vector.shape_cast %get3A_186 : vector<1x4x10000xf32> to vector<4x10000xf32>
    %add3A_188 = arith.addf %add3A_182, %get3A_187 : vector<4x10000xf32>
    %slice3A = vector.extract_strided_slice %add3A_188 {offsets = [0, 0], sizes = [2, 10000], strides = [1, 1]} : vector<4x10000xf32> to vector<2x10000xf32>
    %add3A_189 = arith.constant 1.000000e+00 : f32
    %add3A_190 = vector.broadcast %add3A_189 : f32 to vector<2x10000xf32>
    %add3A_191 = arith.addf %slice3A, %add3A_190 : vector<2x10000xf32>
    %slice3A_192 = vector.extract_strided_slice %add3A_188 {offsets = [2, 0], sizes = [2, 10000], strides = [1, 1]} : vector<4x10000xf32> to vector<2x10000xf32>
    %get3A_193 = arith.constant 0 : index
    %get3A_194 = arith.constant 0 : index
    %get3A_195 = vector.load %arg1[%get3A_193, %get3A_194] : memref<1x10000xf32, #tpu.memory_space<vmem>>, vector<1x10000xf32>
    %add3A_196 = vector.broadcast %get3A_195 : vector<1x10000xf32> to vector<2x10000xf32>
    %add3A_197 = arith.addf %slice3A_192, %add3A_196 : vector<2x10000xf32>
    %div3A = arith.divf %add3A_197, %add3A_191 : vector<2x10000xf32>
    %get3A_198 = arith.constant 0 : index
    %get3A_199 = arith.constant 0 : index
    %get3A_200 = vector.load %arg2[%get3A_198, %get3A_199] : memref<2x21xf32, #tpu.memory_space<vmem>>, vector<2x21xf32>
    %dot_general3A = arith.constant dense<0.000000e+00> : vector<10000x21xf32>
    %dot_general3A_201 = tpu.matmul %div3A, %get3A_200, %dot_general3A {dimension_numbers = #tpu.dot_dimension_numbers<[0], [0], [1], [1], [0, 1, 1, 1], [], []>, transpose_lhs_hint = false} : vector<2x10000xf32>, vector<2x21xf32>, vector<10000x21xf32> -> vector<10000x21xf32>
    %get3A_202 = arith.constant 0 : index
    %get3A_203 = arith.constant 0 : index
    %get3A_204 = vector.load %arg3[%get3A_202, %get3A_203] : memref<1x21xf32, #tpu.memory_space<vmem>>, vector<1x21xf32>
    %add3A_205 = vector.broadcast %get3A_204 : vector<1x21xf32> to vector<10000x21xf32>
    %add3A_206 = arith.addf %dot_general3A_201, %add3A_205 : vector<10000x21xf32>
    %swap3A = arith.constant 0 : index
    %swap3A_207 = arith.constant 0 : index
    %swap3A_208 = vector.load %arg4[%swap3A, %swap3A_207] : memref<10000x21xf32, #tpu.memory_space<vmem>>, vector<10000x21xf32>
    tpu.vector_store %arg4[%swap3A, %swap3A_207], %add3A_206 {strides = array<i32>} : memref<10000x21xf32, #tpu.memory_space<vmem>>, vector<10000x21xf32>,
    return
  }
}

</mosaic_0001>

<sc_bundles>
// kernel: kernel.11.cloned.1.call-start
scs
__scs_entry_jumppad:
0x0: {  	(pc) =	sbr.rel $0x88, $3  }
0x1: {  	(tag) =	ssettag $0x0;
	lr =	simm.s32 $0x1  }
0x2: {  	[smem:$0x3F95] =	sst lr;
	_ =	strace $0xD0000000  }
0x3: {  	_ = 	snop  }
0x4: {  	_ = 	snop  }
0x5: {  	_ = 	snop  }
0x6: {  	_ = 	snop  }
0x7: {  	_ = 	snop  }
__scs_overlays_trampoline_lowered:
0x8: {  	[smem:$0x3FA4] =	sst s0  }
0x9: {  	[smem:$0x3FA5] =	sst s1  }
0xa: {  	[smem:$0x3FA6] =	sst s2  }
0xb: {  	[smem:$0x3FA7] =	sst s3  }
0xc: {  	[smem:$0x3FA8] =	sst s4  }
0xd: {  	[smem:$0x3FA9] =	sst s5  }
0xe: {  	[smem:$0x3FAA] =	sst s6  }
0xf: {  	[smem:$0x3FAB] =	sst s7  }
0x10: {  	[smem:$0x3FAC] =	sst s8  }
0x11: {  	[smem:$0x3FAD] =	sst s9;
	s0 =	simm.s32 @!p0 $0x0  }
0x12: {  	s1 =	sld [smem:$0x3F93];
	s0 =	simm.s32 @p0 $0x1  }
0x13: {  	[smem:$0x3FAE] =	sst s0;
	s0 =	simm.s32 @!p1 $0x0  }
0x14: {  	s2 =	sld [smem:$0x3F92];
	s0 =	simm.s32 @p1 $0x1  }
0x15: {  	[smem:$0x3FAF] =	sst s0;
	s0 =	simm.s32 @!p2 $0x0  }
0x16: {  	s3 =	sld [smem:$0x3FDB];
	s0 =	simm.s32 @p2 $0x1  }
0x17: {  	s4 =	simm.s32 $0x1BF5;
	[smem:$0x3FB1] =	sst s0  }
0x18: {  	s0 =	sld [smem:$0x3F94];
	_ =	swait.ge [sflag:s4], $0x0  }
0x19: {  	s7 =	sld [smem:$0x3F95]  }
0x1a: {  	s8 =	sadd.s32 $0xFFFFE003, lr  }
0x1b: {  	s9 =	sadd.s32 $0xFFFFFEF7, lr;
	s5 =	simm.s32 $0xFFFFFFFF;
	p2 =	slt.u32 s8, $0xFFFFF086  }
0x1c: {  	p1 =	slt.u32 s9, $0xF7A;
	s5 =	simm.s32 @!p2 $0x0  }
0x1d: {  	s5 =	simm.s32 @p1 $0x1;
	p0 =	seq.s32 s7, s2  }
0x1e: {  	s7 =	smul.u32 @!p0 $0xF7A, s2;
	p2 =	seq.s32 @!p0 s5, $0x0  }
0x1f: {  	s9 =	smul.u32 $0xF7A, s1;
	s8 =	simm.s32 @!p0 $0x1BF5;
	p2 =	por !p2, p0  }
0x20: {  	[sflag:s8] =	ssyncset.s32 @!p0 $0xFFFFF086;
	s6 =	sadd.s32 @!p0 s3, s7;
	s7 =	simm.s32 @!p0 $0x108  }
0x21: {  	s3 =	sadd.s32 s3, s9;
	s6 =	sadd.s32 @!p0 $0x88, s6;
	s7 =	simm.s32 @p2 $0x1082  }
0x22: {  	[simem:s7], [sflag:s8] =	dma.local @!p0 [hbm:s6], $0xF7A  }
0x23: {  	s9 =	sor.u32 $0xD0000000, s2;
	s6 =	simm.s32 $0x108;
	_ =	swait.ge @!p0 [sflag:s8], $0x0  }
0x24: {  	s3 =	sadd.s32 $0x88, s3;
	s6 =	simm.s32 @!p1 $0x1082;
	[sflag:s4] =	ssyncset.s32 $0xFFFFF086  }
0x25: {  	[simem:s6], [sflag:s4] =	dma.local [hbm:s3], $0xF7A  }
0x26: {  	[smem:$0x3F95] =	sst s1;
	(tag) =	ssettag s2;
	_ =	strace s9  }
0x27: {  	s1 =	sld [smem:$0x3FA5]  }
0x28: {  	s2 =	sld [smem:$0x3FA6]  }
0x29: {  	s4 =	sld [smem:$0x3FA8]  }
0x2a: {  	p0 =	seq.s32 s5, $0x0;
	s5 =	sld [smem:$0x3FA9]  }
0x2b: {  	s6 =	sld [smem:$0x3FAA]  }
0x2c: {  	s7 =	sld [smem:$0x3FAB]  }
0x2d: {  	s3 =	simm.s32 $0x108;
	s8 =	sld [smem:$0x3FAC]  }
0x2e: {  	s3 =	simm.s32 @!p0 $0x1082;
	s9 =	sld [smem:$0x3FAD]  }
0x2f: {  	lr =	sadd.s32 s0, s3;
	s0 =	sld [smem:$0x3FA4]  }
0x30: {  	s3 =	sld [smem:$0x3FA7]  }
0x31: {  	[smem:$0x3FB0] =	sst s10  }
0x32: {  	s10 =	sld [smem:$0x3FAE];
	_ =	sdelay $0x3  }
0x33: {  	p0 =	seq.s32 s10, $0x1;
	s10 =	sld [smem:$0x3FB0];
	_ =	sdelay $0x3  }
0x34: {  	[smem:$0x3FB0] =	sst s10  }
0x35: {  	s10 =	sld [smem:$0x3FAF];
	_ =	sdelay $0x3  }
0x36: {  	p1 =	seq.s32 s10, $0x1;
	s10 =	sld [smem:$0x3FB0];
	_ =	sdelay $0x3  }
0x37: {  	[smem:$0x3FB0] =	sst s10  }
0x38: {  	s10 =	sld [smem:$0x3FB1]  }
0x39: {  	_ = 	snop;
	(pc) =	sbr.ind lr, $3  }
0x3a: {  	_ = 	snop  }
0x3b: {  	_ = 	snop  }
0x3c: {  	p2 =	seq.s32 s10, $0x1;
	s10 =	sld [smem:$0x3FB0]  }
0x3d: {  	_ =	shalt  }
0x3e: {  	_ =	shalt  }
0x3f: {  	_ =	shalt  }
0x40: {  	_ =	shalt  }
0x41: {  	_ =	shalt  }
0x42: {  	_ =	shalt  }
0x43: {  	_ =	shalt  }
0x44: {  	_ =	shalt  }
0x45: {  	_ =	shalt  }
0x46: {  	_ =	shalt  }
0x47: {  	_ =	shalt  }
0x48: {  	_ =	shalt  }
0x49: {  	_ =	shalt  }
0x4a: {  	_ =	shalt  }
0x4b: {  	_ =	shalt  }
0x4c: {  	_ =	shalt  }
0x4d: {  	_ =	shalt  }
0x4e: {  	_ =	shalt  }
0x4f: {  	_ =	shalt  }
0x50: {  	_ =	shalt  }
0x51: {  	_ =	shalt  }
0x52: {  	_ =	shalt  }
0x53: {  	_ =	shalt  }
0x54: {  	_ =	shalt  }
0x55: {  	_ =	shalt  }
0x56: {  	_ =	shalt  }
0x57: {  	_ =	shalt  }
0x58: {  	_ =	shalt  }
0x59: {  	_ =	shalt  }
0x5a: {  	_ =	shalt  }
0x5b: {  	_ =	shalt  }
0x5c: {  	_ =	shalt  }
0x5d: {  	_ =	shalt  }
0x5e: {  	_ =	shalt  }
0x5f: {  	_ =	shalt  }
0x60: {  	_ =	shalt  }
0x61: {  	_ =	shalt  }
0x62: {  	_ =	shalt  }
0x63: {  	_ =	shalt  }
0x64: {  	_ =	shalt  }
0x65: {  	_ =	shalt  }
0x66: {  	_ =	shalt  }
0x67: {  	_ =	shalt  }
0x68: {  	_ =	shalt  }
0x69: {  	_ =	shalt  }
0x6a: {  	_ =	shalt  }
0x6b: {  	_ =	shalt  }
0x6c: {  	_ =	shalt  }
0x6d: {  	_ =	shalt  }
0x6e: {  	_ =	shalt  }
0x6f: {  	_ =	shalt  }
0x70: {  	_ =	shalt  }
0x71: {  	_ =	shalt  }
0x72: {  	_ =	shalt  }
0x73: {  	_ =	shalt  }
0x74: {  	_ =	shalt  }
0x75: {  	_ =	shalt  }
0x76: {  	_ =	shalt  }
0x77: {  	_ =	shalt  }
0x78: {  	_ =	shalt  }
0x79: {  	_ =	shalt  }
0x7a: {  	_ =	shalt  }
0x7b: {  	_ =	shalt  }
0x7c: {  	_ =	shalt  }
0x7d: {  	_ =	shalt  }
0x7e: {  	_ =	shalt  }
0x7f: {  	_ =	shalt  }
0x80: {  	_ =	shalt  }
0x81: {  	_ =	shalt  }
0x82: {  	_ =	shalt  }
0x83: {  	_ =	shalt  }
0x84: {  	_ =	shalt  }
0x85: {  	_ =	shalt  }
0x86: {  	_ =	shalt  }
0x87: {  	_ =	shalt  }
.Lfunc_end0:
.L_simem_size_0:
called_computation.1_lowered:
.L_overlay_start_0:
0x88: {  	s2 =	sld [smem:$0x3FD9]  }
0x89: {  	s3 =	sld [smem:$0x3FFE];
	_ =	sdelay $0x1  }
0x8a: {  	s1 =	srdreg.scid  }
0x8b: {  	s0 =	sand.u32 $0x1, s1  }
0x8c: {  	s16 =	sshll.u32 s0, $0xA;
	s2 =	sadd.s32 s3, s2  }
0x8d: {  	s2 =	sadd.s32 s2, s16  }
0x8e: {  	[smem:$0x3FBC] =	sst s2  }
0x8f: {  	_ = 	snop  }
0x90: {  	(tm) =	ssettm $0x1  }
0x91: {  	s17 =	sld [smem:$0x3FFB];
	_ =	sdelay $0x3  }
0x92: {  	_ =	strace s17  }
0x93: {  	s2 =	sld [smem:$0x3FFC];
	_ =	sdelay $0x3  }
0x94: {  	_ =	strace s2  }
0x95: {  	s2 =	sld [smem:$0x3FFD];
	_ =	sdelay $0x3  }
0x96: {  	_ =	strace s2  }
0x97: {  	_ =	strace $0x8FFFFFFF  }
0x98: {  	s18 =	sld [smem:$0x3FDB];
	_ =	sdelay $0x1  }
0x99: {  	s19 =	simm.s32 $_scs_section_size  }
0x9a: {  	s4 =	simm.s32 $_size__tile_overlayer_lowered;
	s5 =	simm.s32 $_tile_overlayer_lowered  }
0x9b: {  	s22 =	simm.s32 $0x1BFF;
	s21 =	sshll.u32 s5, $0x1;
	s2 =	sadd.s32 s19, s18  }
0x9c: {  	s6 =	simm.s32 $0x0;
	s20 =	sshll.u32 s4, $0x1;
	s4 =	sadd.s32 s21, s2  }
0x9d: {  	[timem:s6], [sflag:s22] =	dma.local [hbm:s4], s20  }
0x9e: {  	_ =	swait.ge [sflag:s22], s20  }
0x9f: {  	s3 =	ssub.s32 $0x0, s20;
	[sflag:s22] =	ssyncset.done $0x0  }
0xa0: {  	[sflag:s22] =	ssyncadd.s32 s3;
	_ =	sdelay $0x1  }
0xa1: {  	s23 =	simm.s32 $0x1B8B  }
0xa2: {  	_ =	swait.ge [sflag:s23], $0x1  }
0xa3: {  	[sflag:s23] =	ssyncset.done $0x0  }
0xa4: {  	s25 =	simm.s32 $0x1B8E;
	s24 =	sld [smem:$0x3FFE];
	[sflag:s23] =	ssyncadd.s32 $0xFFFFFFFF  }
0xa5: {  	s26 =	simm.s32 $execute0_lowered;
	[smem:$0x3FD2] =	sst s25  }
0xa6: {  	s4 =	sshll.u32 s26, $0x1;
	_ =	strace $0x80000049;
	[dreg:$0x1] =	wrdreg $0xFFFFFFFF  }
0xa7: {  	s28 =	simm.s32 $_size_execute0_lowered;
	s2 =	sadd.s32 s2, s4;
	[dreg:$0x0] =	wrdreg $0x0  }
0xa8: {  	s4 =	sshll.u32 s28, $0x1;
	[dreg:$0x2] =	wrdreg s2  }
0xa9: {  	[dreg:$0x3] =	wrdreg s4  }
0xaa: {  	[dreg:$0x4] =	wrdreg $0xC0  }
0xab: {  	_ =	task [dreg:s6], $0x5FFFF  }
0xac: {  	[dreg:$0x1] =	wrdreg $0xFFFFFFFF  }
0xad: {  	[dreg:$0x0] =	wrdreg $0x60  }
0xae: {  	[dreg:$0x2] =	wrdreg s24  }
0xaf: {  	[dreg:$0x3] =	wrdreg $0x9  }
0xb0: {  	_ =	task.clear_ibuf [dreg:s6], $0x4FFFF;
	_ =	strace $0x90000049  }
0xb1: {  	s29 =	simm.s32 $0x9;
	_ =	strace $0x8000004B  }
0xb2: {  	_ =	swait.ge [sflag:s29], $0x1  }
0xb3: {  	[sflag:s29] =	ssyncadd.s32 $0xFFFFFFFF  }
0xb4: {  	_ =	strace $0x9000004B  }
0xb5: {  	_ =	sfence  }
0xb6: {  	s30 =	sld [smem:$0x0];
	_ =	sdelay $0x2  }
0xb7: {  	s31 =	sshll.u32 s1, $0xD;
	s1 =	sshrl.u32 s1, $0x2  }
0xb8: {  	s3 =	sand.u32 $0x4000, s31;
	s1 =	sadd.s32 s1, s30  }
0xb9: {  	s0 =	sor.u32 s3, s0;
	s1 =	sshll.u32 s1, $0x11  }
0xba: {  	s0 =	sor.u32 s1, s0  }
0xbb: {  	s0 =	sadd.s32 $0x8F2B, s0  }
0xbc: {  	[sflag:s0] =	ssyncadd.remote.s32 $0x1  }
0xbd: {  	_ =	sfence.sel $0xFFFF  }
0xbe: {  	[dreg:$0x0] =	wrdreg $0xFFFFFFFF;
	(pc) =	sbr.abs _section_cstart, $3  }
0xbf: {  	[dreg:$0x1] =	wrdreg $0xFFFFFFFF  }
0xc0: {  	_ =	task.clear_ibuf [dreg:s6], $0x2FFFF;
	_ =	strace $0x9FFFFFFF  }
0xc1: {  	(tm) =	ssettm $0x7FFFFFFF  }
tec
execute0_lowered:
.L_overlay_start_1:
0x0: {  	(tag) =	ssettag $0x1  }
0x1: {  	s1 =	srdreg.scid  }
0x2: {  	s0 =	stileid.u32;
	s10 =	rddreg [dreg:$0x0]  }
0x3: {  	s2 =	simm.s32 $0x0;
	s14 =	simm.s32 $0x2800;
	s15 =	simm.s32 $0x5000  }
0x4: {  	s16 =	simm.s32 $0x7800;
	s17 =	simm.s32 $0xA000;
	s18 =	simm.s32 $0x0  }
0x5: {  	s5 =	sand.u32 $0x1, s1;
	s31 =	sshll.u32 s0, $0x1;
	s1 =	rddreg [dreg:$0x1]  }
0x6: {  	[smem:$0x7FF] =	sst s2;
	s7 =	sadd.s32 $0x4F8540, s10;
	s13 =	sor.u32 s5, s31  }
0x7: {  	s8 =	sadd.s32 $0x50C100, s10;
	s9 =	ssub.s32 $0x2, s5;
	s3 =	smul.u32 $0x2800, s13  }
0x8: {  	_ =	strace $0x8000004A;
	s4 =	smul.u32 $0x1388, s13;
	s12 =	sshrl.u32 s9, $0x1  }
.Ltmp0:
0x9: {  	p0 =	seq.s32 s13, $0x1F;
	s12 =	ssub.s32 s9, s12;
	(pc) =	sbr.rel .LBB2_1-.Ltmp0, $4  }
0xa: {  	s9 =	sadd.s32 $0x502300, s10;
	s3 =	sshrl.u32 s3, $0x3;
	s11 =	sadd.s32 s4, s10  }
0xb: {  	s6 =	sadd.s32 s3, s10;
	s10 =	sadd.s32 $0x51FD00, s10;
	s11 =	sadd.s32 $0x1800, s11  }
0xc: {  	s13 =	simm.s32 $0x1;
	s3 =	sadd.s32 $0x4EEA40, s6;
	s4 =	sadd.s32 $0x502600, s6  }
0xd: {  	v0 =	vimm.f32 $0.0e+00;
	s12 =	smax.u32 s12, $0x1;
	s5 =	sadd.s32 $0x4F8800, s6;
	s6 =	sadd.s32 $0x516200, s6  }
.LBB2_8:
0xe: {  	_ =	sdelay $0x3  }
0xf: {  	[tilespmem:v18+s17+$0x0] =	vst.idx.add.f32.msk $0xffff, v20  }
0x10: {  	[tilespmem:v15+s17+$0x0] =	vst.idx.add.f32.msk $0xffff, v4  }
0x11: {  	[tilespmem:v19+s17+$0x0] =	vst.idx.add.f32.msk $0xffff, v16  }
0x12: {  	v63 =	vadd.s32 $0x7530, v7;
	v2 =	vmul.f32 v2, v10;
	[tilespmem:v13+s17+$0x0] =	vst.idx.add.f32.msk $0xffff, v1  }
0x13: {  	v3 =	vmul.f32 v3, v8;
	[tilespmem:v17+s17+$0x0] =	vst.idx.add.f32.msk $0xffff, v9  }
0x14: {  	[tilespmem:v12+s17+$0x0] =	vst.idx.add.f32.msk $0xffff, v2  }
0x15: {  	[tilespmem:v11+s17+$0x0] =	vst.idx.add.f32.msk $0xffff, v3  }
0x16: {  	[tilespmem:v14+s17+$0x0] =	vst.idx.add.f32.msk $0xffff, v6  }
0x17: {  	[tilespmem:v63+s17+$0x0] =	vst.idx.add.f32.msk $0xffff, v5  }
.LBB2_12:
0x18: {  	s18 =	sadd.s32 $0x1, s18  }
0x19: {  	p1 =	sne.s32 s18, s12  }
.Ltmp1:
0x1a: {  	_ = 	snop;
	(pc) =	sbr.rel @!p1 .LBB2_13-.Ltmp1, $4  }
0x1b: {  	[hbm4b:s11+s2] =	stream.linear.scatter [tilespmem:s17], [sflag:$0x1], $0x9C40, $0x38;
	[tilespmem:$0x13C40] =	vst v63  }
0x1c: {  	_ =	swait.ge [sflag:s13], $0x9C40  }
0x1d: {  	[sflag:s13] =	ssyncset.done $0x0  }
0x1e: {  	[sflag:s13] =	ssyncadd.s32 $0xFFFF63C0  }
.LBB2_1:
0x1f: {  	s19 =	simm.s32 $0xA040  }
0x20: {  	[tilespmem:s19+$0xFFFFFFC0] =	vst v0  }
0x21: {  	[tilespmem:s19+$0x30] =	vst v0  }
0x22: {  	[tilespmem:s19+$0x20] =	vst v0  }
0x23: {  	[tilespmem:s19+$0x10] =	vst v0  }
0x24: {  	[tilespmem:s19+$0x0] =	vst v0  }
0x25: {  	[tilespmem:s19+$0xFFFFFFF0] =	vst v0  }
0x26: {  	s20 =	simm.s32 $0x0;
	[tilespmem:s19+$0xFFFFFFE0] =	vst v0  }
.LBB2_2:
0x27: {  	s20 =	sadd.s32 $0x8, s20;
	[tilespmem:s19+$0xFFFFFFD0] =	vst v0;
	s19 =	sadd.s32 $0x80, s19  }
0x28: {  	[tilespmem:s19+$0xFFFFFFC0] =	vst v0;
	p1 =	slt.u32 s20, $0x9B8  }
0x29: {  	[tilespmem:s19+$0x30] =	vst v0  }
.Ltmp2:
0x2a: {  	[tilespmem:s19+$0x20] =	vst v0;
	(pc) =	sbr.rel @p1 .LBB2_2-.Ltmp2, $4  }
0x2b: {  	[tilespmem:s19+$0x10] =	vst v0  }
0x2c: {  	[tilespmem:s19+$0x0] =	vst v0  }
0x2d: {  	[tilespmem:s19+$0xFFFFFFF0] =	vst v0  }
0x2e: {  	[tilespmem:s19+$0xFFFFFFE0] =	vst v0  }
0x2f: {  	[tilespmem:s19+$0xFFFFFFD0] =	vst v0;
	s19 =	simm.s32 $0x0  }
.LBB2_4:
0x30: {  	p1 =	sne.s32 s19, $0xC0  }
.Ltmp3:
0x31: {  	_ = 	snop;
	(pc) =	sbr.rel @p1 .LBB2_4-.Ltmp3, $3  }
0x32: {  	_ =	sdelay $0x1  }
0x33: {  	s20 =	sshra.s32 s19, $0x2  }
0x34: {  	s19 =	sadd.s32 $0x40, s19;
	[tilespmem:s20+$0x13C00] =	vst v0  }
.Ltmp4:
0x35: {  	(pc) =	sbr.rel @!p0 .LBB2_6-.Ltmp4, $1  }
0x36: {  	_ =	sdelay $0x3  }
0x37: {  	[tilespmem:s2], [sflag:$0x1] =	stream.linear.gather [hbm4b:s7+s2], $0xA00, $0x38;
	[tilespmem:$0x13C40] =	vst v63  }
0x38: {  	_ =	swait.ge [sflag:s13], $0xA00  }
0x39: {  	[sflag:s13] =	ssyncset.done $0x0  }
0x3a: {  	[sflag:s13] =	ssyncadd.s32 $0xFFFFF600  }
0x3b: {  	[tilespmem:s14], [sflag:$0x1] =	stream.linear.gather [hbm4b:s8+s2], $0xA00, $0x38;
	[tilespmem:$0x13C40] =	vst v63  }
0x3c: {  	_ =	swait.ge [sflag:s13], $0xA00  }
0x3d: {  	[sflag:s13] =	ssyncset.done $0x0  }
0x3e: {  	[sflag:s13] =	ssyncadd.s32 $0xFFFFF600  }
0x3f: {  	[tilespmem:s15], [sflag:$0x1] =	stream.linear.gather [hbm4b:s9+s2], $0xA00, $0x38;
	[tilespmem:$0x13C40] =	vst v63  }
0x40: {  	_ =	swait.ge [sflag:s13], $0xA00  }
0x41: {  	[sflag:s13] =	ssyncset.done $0x0  }
0x42: {  	[sflag:s13] =	ssyncadd.s32 $0xFFFFF600  }
0x43: {  	[tilespmem:s16], [sflag:$0x1] =	stream.linear.gather [hbm4b:s10+s2], $0xA00, $0x38;
	[tilespmem:$0x13C40] =	vst v63  }
0x44: {  	_ =	swait.ge [sflag:s13], $0xA00  }
0x45: {  	[sflag:s13] =	ssyncset.done $0x0  }
0x46: {  	s20 =	simm.s32 $0x7820;
	[sflag:s13] =	ssyncadd.s32 $0xFFFFF600  }
0x47: {  	s21 =	simm.s32 $0x5020;
	v2 =	vld [tilespmem:s20+$0xFFFFFFF0]  }
0x48: {  	v1 =	vld [tilespmem:s21+$0xFFFFFFF0]  }
0x49: {  	v3 =	vld [tilespmem:s20+$0x0]  }
0x4a: {  	v4 =	vld [tilespmem:s21+$0x0]  }
0x4b: {  	v16 =	vld [tilespmem:s20+$0x10]  }
0x4c: {  	v14 =	vld [tilespmem:s21+$0x10]  }
0x4d: {  	s19 =	simm.s32 $0x2820;
	v17 =	vld [tilespmem:s20+$0xFFFFFFE0]  }
0x4e: {  	s20 =	simm.s32 $0x20;
	v11 =	vld [tilespmem:s19+$0xFFFFFFE0]  }
0x4f: {  	v18 =	vld [tilespmem:s20+$0xFFFFFFE0]  }
0x50: {  	v21 =	vld [tilespmem:s20+$0x10]  }
0x51: {  	v19 =	vld [tilespmem:s20+$0x0]  }
0x52: {  	v7 =	vld [tilespmem:s20+$0xFFFFFFF0]  }
0x53: {  	v20 =	vld [tilespmem:s19+$0x10]  }
0x54: {  	v8 =	vld [tilespmem:s19+$0x0]  }
0x55: {  	v10 =	vld [tilespmem:s19+$0xFFFFFFF0]  }
0x56: {  	v23 =	vld [tilespmem:s21+$0xFFFFFFE0];
	v22 =	vadd.s32 $0x2710, v21  }
0x57: {  	v24 =	vadd.s32 $0x2710, v18;
	[tilespmem:v18+s17+$0x0] =	vst.idx.add.f32.msk $0xffff, v11  }
0x58: {  	v25 =	vadd.s32 $0x4E20, v18;
	[tilespmem:v21+s17+$0x0] =	vst.idx.add.f32.msk $0xffff, v20  }
0x59: {  	v5 =	vmul.f32 v2, v1;
	[tilespmem:v19+s17+$0x0] =	vst.idx.add.f32.msk $0xffff, v8;
	v18 =	vadd.s32 $0x7530, v18  }
0x5a: {  	v9 =	vmul.f32 v16, v14;
	v26 =	vmul.f32 v17, v11;
	v15 =	vadd.s32 $0x2710, v19;
	[tilespmem:v7+s17+$0x0] =	vst.idx.add.f32.msk $0xffff, v10  }
0x5b: {  	v11 =	vadd.s32 $0x4E20, v19;
	[tilespmem:v22+s17+$0x0] =	vst.idx.add.f32.msk $0xffff, v14;
	v14 =	vadd.s32 $0x7530, v19;
	v19 =	vadd.s32 $0x4E20, v21  }
0x5c: {  	v16 =	vmul.f32 v16, v20;
	v20 =	vmul.f32 v17, v23;
	v17 =	vadd.s32 $0x7530, v21;
	[tilespmem:v24+s17+$0x0] =	vst.idx.add.f32.msk $0xffff, v23  }
0x5d: {  	s22 =	simm.s32 $0x5060;
	s23 =	simm.s32 $0x7860;
	s21 =	simm.s32 $0x0;
	v6 =	vmul.f32 v3, v4;
	v13 =	vadd.s32 $0x2710, v7;
	v12 =	vadd.s32 $0x4E20, v7;
	[tilespmem:v25+s17+$0x0] =	vst.idx.add.f32.msk $0xffff, v26  }
.LBB2_10:
0x5e: {  	s21 =	sadd.s32 $0x4, s21;
	[tilespmem:v18+s17+$0x0] =	vst.idx.add.f32.msk $0xffff, v20;
	s20 =	sadd.s32 $0x40, s20;
	s19 =	sadd.s32 $0x40, s19  }
0x5f: {  	p1 =	slt.u32 s21, $0x9C;
	[tilespmem:v15+s17+$0x0] =	vst.idx.add.f32.msk $0xffff, v4  }
0x60: {  	v4 =	vadd.s32 $0x7530, v7;
	[tilespmem:v19+s17+$0x0] =	vst.idx.add.f32.msk $0xffff, v16  }
0x61: {  	v2 =	vmul.f32 v2, v10;
	v3 =	vmul.f32 v3, v8;
	[tilespmem:v17+s17+$0x0] =	vst.idx.add.f32.msk $0xffff, v9  }
0x62: {  	[tilespmem:v13+s17+$0x0] =	vst.idx.add.f32.msk $0xffff, v1  }
0x63: {  	[tilespmem:v12+s17+$0x0] =	vst.idx.add.f32.msk $0xffff, v2  }
0x64: {  	[tilespmem:v11+s17+$0x0] =	vst.idx.add.f32.msk $0xffff, v3  }
0x65: {  	[tilespmem:v14+s17+$0x0] =	vst.idx.add.f32.msk $0xffff, v6  }
0x66: {  	[tilespmem:v4+s17+$0x0] =	vst.idx.add.f32.msk $0xffff, v5  }
0x67: {  	v2 =	vld [tilespmem:s23+$0xFFFFFFF0]  }
0x68: {  	v1 =	vld [tilespmem:s22+$0xFFFFFFF0]  }
0x69: {  	v3 =	vld [tilespmem:s23+$0x0]  }
0x6a: {  	v4 =	vld [tilespmem:s22+$0x0]  }
0x6b: {  	v16 =	vld [tilespmem:s23+$0x10]  }
0x6c: {  	v17 =	vld [tilespmem:s22+$0x10]  }
0x6d: {  	v19 =	vld [tilespmem:s23+$0xFFFFFFE0];
	v5 =	vmul.f32 v2, v1  }
0x6e: {  	v11 =	vld [tilespmem:s19+$0xFFFFFFE0]  }
0x6f: {  	v18 =	vld [tilespmem:s20+$0xFFFFFFE0];
	v6 =	vmul.f32 v3, v4  }
0x70: {  	v21 =	vld [tilespmem:s20+$0x10]  }
0x71: {  	v20 =	vld [tilespmem:s20+$0x0];
	v9 =	vmul.f32 v16, v17  }
0x72: {  	v7 =	vld [tilespmem:s20+$0xFFFFFFF0]  }
0x73: {  	v22 =	vmul.f32 v19, v11;
	v23 =	vld [tilespmem:s19+$0x10]  }
0x74: {  	v24 =	vadd.s32 $0x2710, v18;
	v8 =	vld [tilespmem:s19+$0x0]  }
0x75: {  	v10 =	vld [tilespmem:s19+$0xFFFFFFF0];
	v25 =	vadd.s32 $0x2710, v21  }
0x76: {  	v26 =	vld [tilespmem:s22+$0xFFFFFFE0];
	v15 =	vadd.s32 $0x2710, v20  }
0x77: {  	[tilespmem:v18+s17+$0x0] =	vst.idx.add.f32.msk $0xffff, v11;
	v13 =	vadd.s32 $0x2710, v7;
	v12 =	vadd.s32 $0x4E20, v7;
	v11 =	vadd.s32 $0x4E20, v20  }
0x78: {  	v27 =	vadd.s32 $0x4E20, v18;
	v14 =	vadd.s32 $0x7530, v20;
	[tilespmem:v21+s17+$0x0] =	vst.idx.add.f32.msk $0xffff, v23;
	v16 =	vmul.f32 v16, v23  }
.Ltmp5:
0x79: {  	v18 =	vadd.s32 $0x7530, v18;
	[tilespmem:v20+s17+$0x0] =	vst.idx.add.f32.msk $0xffff, v8;
	(pc) =	sbr.rel @p1 .LBB2_10-.Ltmp5, $4  }
0x7a: {  	[tilespmem:v7+s17+$0x0] =	vst.idx.add.f32.msk $0xffff, v10  }
0x7b: {  	v20 =	vmul.f32 v19, v26;
	[tilespmem:v25+s17+$0x0] =	vst.idx.add.f32.msk $0xffff, v17;
	v19 =	vadd.s32 $0x4E20, v21  }
0x7c: {  	v17 =	vadd.s32 $0x7530, v21;
	[tilespmem:v24+s17+$0x0] =	vst.idx.add.f32.msk $0xffff, v26  }
0x7d: {  	s23 =	sadd.s32 $0x40, s23;
	s22 =	sadd.s32 $0x40, s22;
	[tilespmem:v27+s17+$0x0] =	vst.idx.add.f32.msk $0xffff, v22  }
0x7e: {  	_ =	sdelay $0x3  }
0x7f: {  	[tilespmem:v18+s17+$0x0] =	vst.idx.add.f32.msk $0xffff, v20  }
0x80: {  	[tilespmem:v15+s17+$0x0] =	vst.idx.add.f32.msk $0xffff, v4  }
0x81: {  	[tilespmem:v19+s17+$0x0] =	vst.idx.add.f32.msk $0xffff, v16  }
0x82: {  	v63 =	vadd.s32 $0x7530, v7;
	v2 =	vmul.f32 v2, v10;
	[tilespmem:v13+s17+$0x0] =	vst.idx.add.f32.msk $0xffff, v1  }
.Ltmp6:
0x83: {  	v3 =	vmul.f32 v3, v8;
	[tilespmem:v17+s17+$0x0] =	vst.idx.add.f32.msk $0xffff, v9;
	(pc) =	sbr.rel .LBB2_12-.Ltmp6, $4  }
0x84: {  	[tilespmem:v12+s17+$0x0] =	vst.idx.add.f32.msk $0xffff, v2  }
0x85: {  	[tilespmem:v11+s17+$0x0] =	vst.idx.add.f32.msk $0xffff, v3  }
0x86: {  	[tilespmem:v14+s17+$0x0] =	vst.idx.add.f32.msk $0xffff, v6  }
0x87: {  	[tilespmem:v63+s17+$0x0] =	vst.idx.add.f32.msk $0xffff, v5  }
.LBB2_6:
0x88: {  	[tilespmem:s2], [sflag:$0x1] =	stream.linear.gather [hbm4b:s3+s2], $0x2800, $0x38;
	[tilespmem:$0x13C40] =	vst v63  }
0x89: {  	_ =	swait.ge [sflag:s13], $0x2800  }
0x8a: {  	[sflag:s13] =	ssyncset.done $0x0  }
0x8b: {  	[sflag:s13] =	ssyncadd.s32 $0xFFFFD800  }
0x8c: {  	[tilespmem:s14], [sflag:$0x1] =	stream.linear.gather [hbm4b:s4+s2], $0x2800, $0x38;
	[tilespmem:$0x13C40] =	vst v63  }
0x8d: {  	_ =	swait.ge [sflag:s13], $0x2800  }
0x8e: {  	[sflag:s13] =	ssyncset.done $0x0  }
0x8f: {  	[sflag:s13] =	ssyncadd.s32 $0xFFFFD800  }
0x90: {  	[tilespmem:s15], [sflag:$0x1] =	stream.linear.gather [hbm4b:s5+s2], $0x2800, $0x38;
	[tilespmem:$0x13C40] =	vst v63  }
0x91: {  	_ =	swait.ge [sflag:s13], $0x2800  }
0x92: {  	[sflag:s13] =	ssyncset.done $0x0  }
0x93: {  	[sflag:s13] =	ssyncadd.s32 $0xFFFFD800  }
0x94: {  	[tilespmem:s16], [sflag:$0x1] =	stream.linear.gather [hbm4b:s6+s2], $0x2800, $0x38;
	[tilespmem:$0x13C40] =	vst v63  }
0x95: {  	_ =	swait.ge [sflag:s13], $0x2800  }
0x96: {  	[sflag:s13] =	ssyncset.done $0x0  }
0x97: {  	s20 =	simm.s32 $0x7820;
	[sflag:s13] =	ssyncadd.s32 $0xFFFFD800  }
0x98: {  	s21 =	simm.s32 $0x5020;
	v2 =	vld [tilespmem:s20+$0xFFFFFFF0]  }
0x99: {  	v1 =	vld [tilespmem:s21+$0xFFFFFFF0]  }
0x9a: {  	v3 =	vld [tilespmem:s20+$0x0]  }
0x9b: {  	v4 =	vld [tilespmem:s21+$0x0]  }
0x9c: {  	v16 =	vld [tilespmem:s20+$0x10]  }
0x9d: {  	v14 =	vld [tilespmem:s21+$0x10]  }
0x9e: {  	s19 =	simm.s32 $0x2820;
	v17 =	vld [tilespmem:s20+$0xFFFFFFE0]  }
0x9f: {  	s20 =	simm.s32 $0x20;
	v11 =	vld [tilespmem:s19+$0xFFFFFFE0]  }
0xa0: {  	v18 =	vld [tilespmem:s20+$0xFFFFFFE0]  }
0xa1: {  	v21 =	vld [tilespmem:s20+$0x10]  }
0xa2: {  	v19 =	vld [tilespmem:s20+$0x0]  }
0xa3: {  	v7 =	vld [tilespmem:s20+$0xFFFFFFF0]  }
0xa4: {  	v20 =	vld [tilespmem:s19+$0x10]  }
0xa5: {  	v8 =	vld [tilespmem:s19+$0x0]  }
0xa6: {  	v10 =	vld [tilespmem:s19+$0xFFFFFFF0]  }
0xa7: {  	v23 =	vld [tilespmem:s21+$0xFFFFFFE0];
	v22 =	vadd.s32 $0x2710, v21  }
0xa8: {  	v24 =	vadd.s32 $0x2710, v18;
	[tilespmem:v18+s17+$0x0] =	vst.idx.add.f32.msk $0xffff, v11  }
0xa9: {  	v25 =	vadd.s32 $0x4E20, v18;
	[tilespmem:v21+s17+$0x0] =	vst.idx.add.f32.msk $0xffff, v20  }
0xaa: {  	v5 =	vmul.f32 v2, v1;
	[tilespmem:v19+s17+$0x0] =	vst.idx.add.f32.msk $0xffff, v8;
	v18 =	vadd.s32 $0x7530, v18  }
0xab: {  	v9 =	vmul.f32 v16, v14;
	v26 =	vmul.f32 v17, v11;
	v15 =	vadd.s32 $0x2710, v19;
	[tilespmem:v7+s17+$0x0] =	vst.idx.add.f32.msk $0xffff, v10  }
0xac: {  	v11 =	vadd.s32 $0x4E20, v19;
	[tilespmem:v22+s17+$0x0] =	vst.idx.add.f32.msk $0xffff, v14;
	v14 =	vadd.s32 $0x7530, v19;
	v19 =	vadd.s32 $0x4E20, v21  }
0xad: {  	v16 =	vmul.f32 v16, v20;
	v20 =	vmul.f32 v17, v23;
	v17 =	vadd.s32 $0x7530, v21;
	[tilespmem:v24+s17+$0x0] =	vst.idx.add.f32.msk $0xffff, v23  }
0xae: {  	s22 =	simm.s32 $0x5060;
	s23 =	simm.s32 $0x7860;
	s21 =	simm.s32 $0x0;
	v6 =	vmul.f32 v3, v4;
	v13 =	vadd.s32 $0x2710, v7;
	v12 =	vadd.s32 $0x4E20, v7;
	[tilespmem:v25+s17+$0x0] =	vst.idx.add.f32.msk $0xffff, v26  }
.LBB2_7:
0xaf: {  	s21 =	sadd.s32 $0x4, s21;
	[tilespmem:v18+s17+$0x0] =	vst.idx.add.f32.msk $0xffff, v20;
	s20 =	sadd.s32 $0x40, s20;
	s19 =	sadd.s32 $0x40, s19  }
0xb0: {  	p1 =	slt.u32 s21, $0x27C;
	[tilespmem:v15+s17+$0x0] =	vst.idx.add.f32.msk $0xffff, v4  }
0xb1: {  	v4 =	vadd.s32 $0x7530, v7;
	[tilespmem:v19+s17+$0x0] =	vst.idx.add.f32.msk $0xffff, v16  }
0xb2: {  	v2 =	vmul.f32 v2, v10;
	v3 =	vmul.f32 v3, v8;
	[tilespmem:v17+s17+$0x0] =	vst.idx.add.f32.msk $0xffff, v9  }
0xb3: {  	[tilespmem:v13+s17+$0x0] =	vst.idx.add.f32.msk $0xffff, v1  }
0xb4: {  	[tilespmem:v12+s17+$0x0] =	vst.idx.add.f32.msk $0xffff, v2  }
0xb5: {  	[tilespmem:v11+s17+$0x0] =	vst.idx.add.f32.msk $0xffff, v3  }
0xb6: {  	[tilespmem:v14+s17+$0x0] =	vst.idx.add.f32.msk $0xffff, v6  }
0xb7: {  	[tilespmem:v4+s17+$0x0] =	vst.idx.add.f32.msk $0xffff, v5  }
0xb8: {  	v2 =	vld [tilespmem:s23+$0xFFFFFFF0]  }
0xb9: {  	v1 =	vld [tilespmem:s22+$0xFFFFFFF0]  }
0xba: {  	v3 =	vld [tilespmem:s23+$0x0]  }
0xbb: {  	v4 =	vld [tilespmem:s22+$0x0]  }
0xbc: {  	v16 =	vld [tilespmem:s23+$0x10]  }
0xbd: {  	v17 =	vld [tilespmem:s22+$0x10]  }
0xbe: {  	v19 =	vld [tilespmem:s23+$0xFFFFFFE0];
	v5 =	vmul.f32 v2, v1  }
0xbf: {  	v11 =	vld [tilespmem:s19+$0xFFFFFFE0]  }
0xc0: {  	v18 =	vld [tilespmem:s20+$0xFFFFFFE0];
	v6 =	vmul.f32 v3, v4  }
0xc1: {  	v21 =	vld [tilespmem:s20+$0x10]  }
0xc2: {  	v20 =	vld [tilespmem:s20+$0x0];
	v9 =	vmul.f32 v16, v17  }
0xc3: {  	v7 =	vld [tilespmem:s20+$0xFFFFFFF0]  }
0xc4: {  	v22 =	vmul.f32 v19, v11;
	v23 =	vld [tilespmem:s19+$0x10]  }
0xc5: {  	v24 =	vadd.s32 $0x2710, v18;
	v8 =	vld [tilespmem:s19+$0x0]  }
0xc6: {  	v10 =	vld [tilespmem:s19+$0xFFFFFFF0];
	v25 =	vadd.s32 $0x2710, v21  }
0xc7: {  	v26 =	vld [tilespmem:s22+$0xFFFFFFE0];
	v15 =	vadd.s32 $0x2710, v20  }
0xc8: {  	[tilespmem:v18+s17+$0x0] =	vst.idx.add.f32.msk $0xffff, v11;
	v13 =	vadd.s32 $0x2710, v7;
	v12 =	vadd.s32 $0x4E20, v7;
	v11 =	vadd.s32 $0x4E20, v20  }
0xc9: {  	v27 =	vadd.s32 $0x4E20, v18;
	v14 =	vadd.s32 $0x7530, v20;
	[tilespmem:v21+s17+$0x0] =	vst.idx.add.f32.msk $0xffff, v23;
	v16 =	vmul.f32 v16, v23  }
.Ltmp7:
0xca: {  	v18 =	vadd.s32 $0x7530, v18;
	[tilespmem:v20+s17+$0x0] =	vst.idx.add.f32.msk $0xffff, v8;
	(pc) =	sbr.rel @p1 .LBB2_7-.Ltmp7, $4  }
0xcb: {  	[tilespmem:v7+s17+$0x0] =	vst.idx.add.f32.msk $0xffff, v10  }
0xcc: {  	v20 =	vmul.f32 v19, v26;
	[tilespmem:v25+s17+$0x0] =	vst.idx.add.f32.msk $0xffff, v17;
	v19 =	vadd.s32 $0x4E20, v21  }
0xcd: {  	v17 =	vadd.s32 $0x7530, v21;
	[tilespmem:v24+s17+$0x0] =	vst.idx.add.f32.msk $0xffff, v26  }
0xce: {  	s23 =	sadd.s32 $0x40, s23;
	s22 =	sadd.s32 $0x40, s22;
	[tilespmem:v27+s17+$0x0] =	vst.idx.add.f32.msk $0xffff, v22  }
.Ltmp8:
0xcf: {  	_ = 	snop;
	(pc) =	sbr.rel .LBB2_8-.Ltmp8, $1  }
0xd0: {  	_ =	sdelay $0x3  }
.LBB2_13:
0xd1: {  	_ =	sfence.sel $0x180000  }
0xd2: {  	[bflag:$0x0] =	sbarrier.arrive $0xFFFF  }
0xd3: {  	p0 =	sne.s32 s0, $0x0;
	_ =	strace $0x9000004A  }
0xd4: {  	s0 =	sadd.s32 @!p0 $0x100000, s1;
	[bflag:$0x2] =	sbarrier.arrive $0xFFFF  }
0xd5: {  	[sflag:s0] =	ssyncadd.tile.s32 @!p0 $0x1;
	_ =	shalt  }
.Lfunc_end2:
_tile_overlayer_lowered:
.L_overlay_start_2:
0xd6: {  	(tag) =	ssettag $0x2  }
0xd7: {  	s0 =	rddreg [dreg:$0x0];
	s2 =	stileid.u32  }
0xd8: {  	s1 =	rddreg [dreg:$0x1];
	p0 =	sne.s32 s2, $0x0  }
0xd9: {  	s3 =	rddreg [dreg:$0x2];
	[bflag:$0x3] =	sbarrier.arrive $0xFFFF;
	s2 =	simm.s32 @!p0 $0x1C01  }
0xda: {  	[timem:s3], [sflag:s2] =	dma.local @!p0 [hbm:s0], s1  }
0xdb: {  	s0 =	simm.s32 @!p0 $0x1  }
0xdc: {  	_ =	swait.ge @!p0 [sflag:s0], s1  }
0xdd: {  	s1 =	ssub.s32 @!p0 $0x0, s1;
	[sflag:s0] =	ssyncset.done @!p0 $0x0  }
0xde: {  	[sflag:s0] =	ssyncadd.s32 @!p0 s1  }
0xdf: {  	[bflag:$0x3] =	sbarrier.arrive $0xFFFF  }
0xe0: {  	_ =	shalt  }

// kernel: kernel.8.cloned.1.call-start
scs
__scs_entry_jumppad:
0x0: {  	(pc) =	sbr.rel $0x88, $3  }
0x1: {  	(tag) =	ssettag $0x0;
	lr =	simm.s32 $0x1  }
0x2: {  	[smem:$0x3F95] =	sst lr;
	_ =	strace $0xD0000000  }
0x3: {  	_ = 	snop  }
0x4: {  	_ = 	snop  }
0x5: {  	_ = 	snop  }
0x6: {  	_ = 	snop  }
0x7: {  	_ = 	snop  }
__scs_overlays_trampoline_lowered:
0x8: {  	[smem:$0x3FA4] =	sst s0  }
0x9: {  	[smem:$0x3FA5] =	sst s1  }
0xa: {  	[smem:$0x3FA6] =	sst s2  }
0xb: {  	[smem:$0x3FA7] =	sst s3  }
0xc: {  	[smem:$0x3FA8] =	sst s4  }
0xd: {  	[smem:$0x3FA9] =	sst s5  }
0xe: {  	[smem:$0x3FAA] =	sst s6  }
0xf: {  	[smem:$0x3FAB] =	sst s7  }
0x10: {  	[smem:$0x3FAC] =	sst s8  }
0x11: {  	[smem:$0x3FAD] =	sst s9;
	s0 =	simm.s32 @!p0 $0x0  }
0x12: {  	s1 =	sld [smem:$0x3F93];
	s0 =	simm.s32 @p0 $0x1  }
0x13: {  	[smem:$0x3FAE] =	sst s0;
	s0 =	simm.s32 @!p1 $0x0  }
0x14: {  	s2 =	sld [smem:$0x3F92];
	s0 =	simm.s32 @p1 $0x1  }
0x15: {  	[smem:$0x3FAF] =	sst s0;
	s0 =	simm.s32 @!p2 $0x0  }
0x16: {  	s3 =	sld [smem:$0x3FDB];
	s0 =	simm.s32 @p2 $0x1  }
0x17: {  	s4 =	simm.s32 $0x1BF5;
	[smem:$0x3FB1] =	sst s0  }
0x18: {  	s0 =	sld [smem:$0x3F94];
	_ =	swait.ge [sflag:s4], $0x0  }
0x19: {  	s7 =	sld [smem:$0x3F95]  }
0x1a: {  	s8 =	sadd.s32 $0xFFFFE003, lr  }
0x1b: {  	s9 =	sadd.s32 $0xFFFFFEF7, lr;
	s5 =	simm.s32 $0xFFFFFFFF;
	p2 =	slt.u32 s8, $0xFFFFF086  }
0x1c: {  	p1 =	slt.u32 s9, $0xF7A;
	s5 =	simm.s32 @!p2 $0x0  }
0x1d: {  	s5 =	simm.s32 @p1 $0x1;
	p0 =	seq.s32 s7, s2  }
0x1e: {  	s7 =	smul.u32 @!p0 $0xF7A, s2;
	p2 =	seq.s32 @!p0 s5, $0x0  }
0x1f: {  	s9 =	smul.u32 $0xF7A, s1;
	s8 =	simm.s32 @!p0 $0x1BF5;
	p2 =	por !p2, p0  }
0x20: {  	[sflag:s8] =	ssyncset.s32 @!p0 $0xFFFFF086;
	s6 =	sadd.s32 @!p0 s3, s7;
	s7 =	simm.s32 @!p0 $0x108  }
0x21: {  	s3 =	sadd.s32 s3, s9;
	s6 =	sadd.s32 @!p0 $0x88, s6;
	s7 =	simm.s32 @p2 $0x1082  }
0x22: {  	[simem:s7], [sflag:s8] =	dma.local @!p0 [hbm:s6], $0xF7A  }
0x23: {  	s9 =	sor.u32 $0xD0000000, s2;
	s6 =	simm.s32 $0x108;
	_ =	swait.ge @!p0 [sflag:s8], $0x0  }
0x24: {  	s3 =	sadd.s32 $0x88, s3;
	s6 =	simm.s32 @!p1 $0x1082;
	[sflag:s4] =	ssyncset.s32 $0xFFFFF086  }
0x25: {  	[simem:s6], [sflag:s4] =	dma.local [hbm:s3], $0xF7A  }
0x26: {  	[smem:$0x3F95] =	sst s1;
	(tag) =	ssettag s2;
	_ =	strace s9  }
0x27: {  	s1 =	sld [smem:$0x3FA5]  }
0x28: {  	s2 =	sld [smem:$0x3FA6]  }
0x29: {  	s4 =	sld [smem:$0x3FA8]  }
0x2a: {  	p0 =	seq.s32 s5, $0x0;
	s5 =	sld [smem:$0x3FA9]  }
0x2b: {  	s6 =	sld [smem:$0x3FAA]  }
0x2c: {  	s7 =	sld [smem:$0x3FAB]  }
0x2d: {  	s3 =	simm.s32 $0x108;
	s8 =	sld [smem:$0x3FAC]  }
0x2e: {  	s3 =	simm.s32 @!p0 $0x1082;
	s9 =	sld [smem:$0x3FAD]  }
0x2f: {  	lr =	sadd.s32 s0, s3;
	s0 =	sld [smem:$0x3FA4]  }
0x30: {  	s3 =	sld [smem:$0x3FA7]  }
0x31: {  	[smem:$0x3FB0] =	sst s10  }
0x32: {  	s10 =	sld [smem:$0x3FAE];
	_ =	sdelay $0x3  }
0x33: {  	p0 =	seq.s32 s10, $0x1;
	s10 =	sld [smem:$0x3FB0];
	_ =	sdelay $0x3  }
0x34: {  	[smem:$0x3FB0] =	sst s10  }
0x35: {  	s10 =	sld [smem:$0x3FAF];
	_ =	sdelay $0x3  }
0x36: {  	p1 =	seq.s32 s10, $0x1;
	s10 =	sld [smem:$0x3FB0];
	_ =	sdelay $0x3  }
0x37: {  	[smem:$0x3FB0] =	sst s10  }
0x38: {  	s10 =	sld [smem:$0x3FB1]  }
0x39: {  	_ = 	snop;
	(pc) =	sbr.ind lr, $3  }
0x3a: {  	_ = 	snop  }
0x3b: {  	_ = 	snop  }
0x3c: {  	p2 =	seq.s32 s10, $0x1;
	s10 =	sld [smem:$0x3FB0]  }
0x3d: {  	_ =	shalt  }
0x3e: {  	_ =	shalt  }
0x3f: {  	_ =	shalt  }
0x40: {  	_ =	shalt  }
0x41: {  	_ =	shalt  }
0x42: {  	_ =	shalt  }
0x43: {  	_ =	shalt  }
0x44: {  	_ =	shalt  }
0x45: {  	_ =	shalt  }
0x46: {  	_ =	shalt  }
0x47: {  	_ =	shalt  }
0x48: {  	_ =	shalt  }
0x49: {  	_ =	shalt  }
0x4a: {  	_ =	shalt  }
0x4b: {  	_ =	shalt  }
0x4c: {  	_ =	shalt  }
0x4d: {  	_ =	shalt  }
0x4e: {  	_ =	shalt  }
0x4f: {  	_ =	shalt  }
0x50: {  	_ =	shalt  }
0x51: {  	_ =	shalt  }
0x52: {  	_ =	shalt  }
0x53: {  	_ =	shalt  }
0x54: {  	_ =	shalt  }
0x55: {  	_ =	shalt  }
0x56: {  	_ =	shalt  }
0x57: {  	_ =	shalt  }
0x58: {  	_ =	shalt  }
0x59: {  	_ =	shalt  }
0x5a: {  	_ =	shalt  }
0x5b: {  	_ =	shalt  }
0x5c: {  	_ =	shalt  }
0x5d: {  	_ =	shalt  }
0x5e: {  	_ =	shalt  }
0x5f: {  	_ =	shalt  }
0x60: {  	_ =	shalt  }
0x61: {  	_ =	shalt  }
0x62: {  	_ =	shalt  }
0x63: {  	_ =	shalt  }
0x64: {  	_ =	shalt  }
0x65: {  	_ =	shalt  }
0x66: {  	_ =	shalt  }
0x67: {  	_ =	shalt  }
0x68: {  	_ =	shalt  }
0x69: {  	_ =	shalt  }
0x6a: {  	_ =	shalt  }
0x6b: {  	_ =	shalt  }
0x6c: {  	_ =	shalt  }
0x6d: {  	_ =	shalt  }
0x6e: {  	_ =	shalt  }
0x6f: {  	_ =	shalt  }
0x70: {  	_ =	shalt  }
0x71: {  	_ =	shalt  }
0x72: {  	_ =	shalt  }
0x73: {  	_ =	shalt  }
0x74: {  	_ =	shalt  }
0x75: {  	_ =	shalt  }
0x76: {  	_ =	shalt  }
0x77: {  	_ =	shalt  }
0x78: {  	_ =	shalt  }
0x79: {  	_ =	shalt  }
0x7a: {  	_ =	shalt  }
0x7b: {  	_ =	shalt  }
0x7c: {  	_ =	shalt  }
0x7d: {  	_ =	shalt  }
0x7e: {  	_ =	shalt  }
0x7f: {  	_ =	shalt  }
0x80: {  	_ =	shalt  }
0x81: {  	_ =	shalt  }
0x82: {  	_ =	shalt  }
0x83: {  	_ =	shalt  }
0x84: {  	_ =	shalt  }
0x85: {  	_ =	shalt  }
0x86: {  	_ =	shalt  }
0x87: {  	_ =	shalt  }
.Lfunc_end0:
.L_simem_size_0:
called_computation_lowered:
.L_overlay_start_0:
0x88: {  	s2 =	sld [smem:$0x3FD9]  }
0x89: {  	s3 =	sld [smem:$0x3FFE];
	_ =	sdelay $0x1  }
0x8a: {  	s1 =	srdreg.scid  }
0x8b: {  	s0 =	sand.u32 $0x1, s1  }
0x8c: {  	s16 =	sshll.u32 s0, $0xA;
	s2 =	sadd.s32 s3, s2  }
0x8d: {  	s2 =	sadd.s32 s2, s16  }
0x8e: {  	[smem:$0x3FBC] =	sst s2  }
0x8f: {  	_ = 	snop  }
0x90: {  	(tm) =	ssettm $0x1  }
0x91: {  	s17 =	sld [smem:$0x3FFB];
	_ =	sdelay $0x3  }
0x92: {  	_ =	strace s17  }
0x93: {  	s2 =	sld [smem:$0x3FFC];
	_ =	sdelay $0x3  }
0x94: {  	_ =	strace s2  }
0x95: {  	s2 =	sld [smem:$0x3FFD];
	_ =	sdelay $0x3  }
0x96: {  	_ =	strace s2  }
0x97: {  	_ =	strace $0x8FFFFFFF  }
0x98: {  	s18 =	sld [smem:$0x3FDB];
	_ =	sdelay $0x1  }
0x99: {  	s19 =	simm.s32 $_scs_section_size  }
0x9a: {  	s4 =	simm.s32 $_size__tile_overlayer_lowered;
	s5 =	simm.s32 $_tile_overlayer_lowered  }
0x9b: {  	s22 =	simm.s32 $0x1BFF;
	s21 =	sshll.u32 s5, $0x1;
	s2 =	sadd.s32 s19, s18  }
0x9c: {  	s6 =	simm.s32 $0x0;
	s20 =	sshll.u32 s4, $0x1;
	s4 =	sadd.s32 s21, s2  }
0x9d: {  	[timem:s6], [sflag:s22] =	dma.local [hbm:s4], s20  }
0x9e: {  	_ =	swait.ge [sflag:s22], s20  }
0x9f: {  	s3 =	ssub.s32 $0x0, s20;
	[sflag:s22] =	ssyncset.done $0x0  }
0xa0: {  	[sflag:s22] =	ssyncadd.s32 s3;
	_ =	sdelay $0x1  }
0xa1: {  	s23 =	simm.s32 $0x1B8B  }
0xa2: {  	_ =	swait.ge [sflag:s23], $0x1  }
0xa3: {  	[sflag:s23] =	ssyncset.done $0x0  }
0xa4: {  	s25 =	simm.s32 $0x1B8E;
	s24 =	sld [smem:$0x3FFE];
	[sflag:s23] =	ssyncadd.s32 $0xFFFFFFFF  }
0xa5: {  	s26 =	simm.s32 $execute0_lowered;
	[smem:$0x3FD2] =	sst s25  }
0xa6: {  	s4 =	sshll.u32 s26, $0x1;
	_ =	strace $0x80000046;
	[dreg:$0x1] =	wrdreg $0xFFFFFFFF  }
0xa7: {  	s28 =	simm.s32 $_size_execute0_lowered;
	s2 =	sadd.s32 s2, s4;
	[dreg:$0x0] =	wrdreg $0x0  }
0xa8: {  	s4 =	sshll.u32 s28, $0x1;
	[dreg:$0x2] =	wrdreg s2  }
0xa9: {  	[dreg:$0x3] =	wrdreg s4  }
0xaa: {  	[dreg:$0x4] =	wrdreg $0xC0  }
0xab: {  	_ =	task [dreg:s6], $0x5FFFF  }
0xac: {  	[dreg:$0x1] =	wrdreg $0xFFFFFFFF  }
0xad: {  	[dreg:$0x0] =	wrdreg $0x60  }
0xae: {  	[dreg:$0x2] =	wrdreg s24  }
0xaf: {  	[dreg:$0x3] =	wrdreg $0x9  }
0xb0: {  	_ =	task.clear_ibuf [dreg:s6], $0x4FFFF;
	_ =	strace $0x90000046  }
0xb1: {  	s29 =	simm.s32 $0x9;
	_ =	strace $0x80000048  }
0xb2: {  	_ =	swait.ge [sflag:s29], $0x1  }
0xb3: {  	[sflag:s29] =	ssyncadd.s32 $0xFFFFFFFF  }
0xb4: {  	_ =	strace $0x90000048  }
0xb5: {  	_ =	sfence  }
0xb6: {  	s30 =	sld [smem:$0x0];
	_ =	sdelay $0x2  }
0xb7: {  	s31 =	sshll.u32 s1, $0xD;
	s1 =	sshrl.u32 s1, $0x2  }
0xb8: {  	s3 =	sand.u32 $0x4000, s31;
	s1 =	sadd.s32 s1, s30  }
0xb9: {  	s0 =	sor.u32 s3, s0;
	s1 =	sshll.u32 s1, $0x11  }
0xba: {  	s0 =	sor.u32 s1, s0  }
0xbb: {  	s0 =	sadd.s32 $0x8F2B, s0  }
0xbc: {  	[sflag:s0] =	ssyncadd.remote.s32 $0x1  }
0xbd: {  	_ =	sfence.sel $0xFFFF  }
0xbe: {  	[dreg:$0x0] =	wrdreg $0xFFFFFFFF;
	(pc) =	sbr.abs _section_cstart, $3  }
0xbf: {  	[dreg:$0x1] =	wrdreg $0xFFFFFFFF  }
0xc0: {  	_ =	task.clear_ibuf [dreg:s6], $0x2FFFF;
	_ =	strace $0x9FFFFFFF  }
0xc1: {  	(tm) =	ssettm $0x7FFFFFFF  }
tec
execute0_lowered:
.L_overlay_start_1:
0x0: {  	(tag) =	ssettag $0x1  }
0x1: {  	s1 =	srdreg.scid;
	s17 =	rddreg [dreg:$0x0]  }
0x2: {  	s20 =	simm.s32 $0x2710;
	s21 =	simm.s32 $0x4E20;
	s22 =	simm.s32 $0x7530  }
0x3: {  	s23 =	simm.s32 $0x9D30;
	s24 =	simm.s32 $0xC530;
	s25 =	simm.s32 $0xED30  }
0x4: {  	s0 =	stileid.u32;
	s3 =	sadd.s32 $0x4E3800, s17;
	s5 =	sadd.s32 $0x4E4200, s17  }
0x5: {  	s1 =	sand.u32 $0x1, s1;
	s12 =	sadd.s32 $0x4EE900, s17;
	s13 =	sadd.s32 $0x51FD00, s17  }
0x6: {  	s2 =	sshll.u32 s0, $0x1;
	s15 =	sadd.s32 $0x502300, s17;
	s16 =	sadd.s32 $0x50C100, s17  }
0x7: {  	s19 =	sor.u32 s1, s2;
	s2 =	simm.s32 $0x0;
	s1 =	ssub.s32 $0x2, s1  }
0x8: {  	s4 =	smul.u32 $0x2800, s19;
	[smem:$0x7FF] =	sst s2;
	s14 =	sshrl.u32 s1, $0x1  }
0x9: {  	p0 =	seq.s32 s19, $0x1F;
	_ =	strace $0x80000047;
	s1 =	ssub.s32 s1, s14  }
.Ltmp0:
0xa: {  	s14 =	sadd.s32 $0x4F8540, s17;
	s6 =	sshrl.u32 s4, $0x3;
	(pc) =	sbr.rel .LBB2_1-.Ltmp0, $4  }
0xb: {  	s4 =	sadd.s32 $0x4E4800, s17;
	s11 =	sadd.s32 s6, s17;
	s17 =	sadd.s32 $0x515F00, s17  }
0xc: {  	s26 =	simm.s32 $0x0;
	s6 =	sadd.s32 $0x4E4E00, s11;
	s7 =	sadd.s32 $0x516200, s11  }
0xd: {  	s19 =	simm.s32 $0x1;
	s8 =	sadd.s32 $0x4EEA40, s11;
	s9 =	sadd.s32 $0x4F8800, s11  }
0xe: {  	s18 =	smax.u32 s1, $0x1;
	s10 =	sadd.s32 $0x502600, s11;
	s11 =	sadd.s32 $0x50C400, s11  }
.LBB2_11:
0xf: {  	[tilespmem:s30+$0xFFFFFFE0] =	vst v0  }
0x10: {  	[tilespmem:s30+$0xFFFFFFF0] =	vst v1  }
0x11: {  	[tilespmem:s30+$0x0] =	vst v2  }
0x12: {  	[tilespmem:s30+$0x10] =	vst v4  }
0x13: {  	[tilespmem:s30+$0xFFFFFFC0] =	vst v3  }
0x14: {  	[tilespmem:s30+$0x20] =	vst v5  }
0x15: {  	[hbm4b:s15+s2] =	stream.linear.scatter [tilespmem:s23], [sflag:$0x1], $0xA00, $0x38;
	[tilespmem:$0x11530] =	vst v63  }
0x16: {  	_ =	swait.ge [sflag:s19], $0xA00  }
0x17: {  	[sflag:s19] =	ssyncset.done $0x0  }
0x18: {  	[sflag:s19] =	ssyncadd.s32 $0xFFFFF600  }
0x19: {  	[hbm4b:s16+s2] =	stream.linear.scatter [tilespmem:s24], [sflag:$0x1], $0xA00, $0x38;
	[tilespmem:$0x11530] =	vst v63  }
0x1a: {  	_ =	swait.ge [sflag:s19], $0xA00  }
0x1b: {  	[sflag:s19] =	ssyncset.done $0x0  }
0x1c: {  	[sflag:s19] =	ssyncadd.s32 $0xFFFFF600  }
0x1d: {  	[hbm4b:s17+s2] =	stream.linear.scatter [tilespmem:s25], [sflag:$0x1], $0xA00, $0x38;
	[tilespmem:$0x11530] =	vst v63  }
0x1e: {  	_ =	swait.ge [sflag:s19], $0xA00  }
0x1f: {  	[sflag:s19] =	ssyncset.done $0x0  }
0x20: {  	[sflag:s19] =	ssyncadd.s32 $0xFFFFF600  }
.LBB2_12:
0x21: {  	s26 =	sadd.s32 $0x1, s26  }
0x22: {  	p1 =	sne.s32 s26, s18  }
.Ltmp1:
0x23: {  	_ = 	snop;
	(pc) =	sbr.rel @!p1 .LBB2_13-.Ltmp1, $1  }
0x24: {  	_ =	sdelay $0x3  }
.LBB2_1:
0x25: {  	[tilespmem:s2], [sflag:$0x1] =	stream.linear.gather [hbm4b:s3+s2], $0x2710, $0x38;
	[tilespmem:$0x11530] =	vst v63  }
0x26: {  	_ =	swait.ge [sflag:s19], $0x2710  }
0x27: {  	[sflag:s19] =	ssyncset.done $0x0  }
0x28: {  	[sflag:s19] =	ssyncadd.s32 $0xFFFFD8F0  }
0x29: {  	[tilespmem:s20], [sflag:$0x1] =	stream.linear.gather [hbm4b:s4+s2], $0x2710, $0x38;
	[tilespmem:$0x11530] =	vst v63  }
0x2a: {  	_ =	swait.ge [sflag:s19], $0x2710  }
0x2b: {  	[sflag:s19] =	ssyncset.done $0x0  }
.Ltmp2:
0x2c: {  	[sflag:s19] =	ssyncadd.s32 $0xFFFFD8F0;
	(pc) =	sbr.rel @!p0 .LBB2_2-.Ltmp2, $4  }
0x2d: {  	[tilespmem:s21], [sflag:$0x1] =	stream.linear.gather [hbm4b:s5+s2], $0x2710, $0x38;
	[tilespmem:$0x11530] =	vst v63  }
0x2e: {  	_ =	swait.ge [sflag:s19], $0x2710  }
0x2f: {  	[sflag:s19] =	ssyncset.done $0x0  }
0x30: {  	[sflag:s19] =	ssyncadd.s32 $0xFFFFD8F0  }
0x31: {  	[tilespmem:s22], [sflag:$0x1] =	stream.linear.gather [hbm4b:s12+s2], $0xA00, $0x38;
	[tilespmem:$0x11530] =	vst v63  }
0x32: {  	_ =	swait.ge [sflag:s19], $0xA00  }
0x33: {  	[sflag:s19] =	ssyncset.done $0x0  }
0x34: {  	s1 =	simm.s32 $0x7570;
	[sflag:s19] =	ssyncadd.s32 $0xFFFFF600  }
0x35: {  	v0 =	vld [tilespmem:s1+$0x30]  }
0x36: {  	v1 =	vld [tilespmem:s1+$0xFFFFFFD0]  }
0x37: {  	v2 =	vld [tilespmem:s1+$0xFFFFFFE0]  }
0x38: {  	v3 =	vld [tilespmem:s1+$0xFFFFFFF0]  }
0x39: {  	v4 =	vld [tilespmem:s1+$0x0]  }
0x3a: {  	v6 =	vld [tilespmem:s1+$0x10]  }
0x3b: {  	v7 =	vld [tilespmem:s1+$0x20]  }
0x3c: {  	v8 =	vld [tilespmem:s1+$0xFFFFFFC0]  }
0x3d: {  	v9 =	vld.idx.msk [tilespmem:v0+s2+$0x0], $0xffff  }
0x3e: {  	v10 =	vld.idx.msk [tilespmem:v1+s2+$0x0], $0xffff  }
0x3f: {  	v5 =	vld.idx.msk [tilespmem:v2+s2+$0x0], $0xffff  }
0x40: {  	v3 =	vld.idx.msk [tilespmem:v3+s2+$0x0], $0xffff  }
0x41: {  	v0 =	vld.idx.msk [tilespmem:v4+s2+$0x0], $0xffff  }
0x42: {  	s1 =	simm.s32 $0x9D70;
	v1 =	vld.idx.msk [tilespmem:v6+s2+$0x0], $0xffff  }
0x43: {  	v2 =	vld.idx.msk [tilespmem:v7+s2+$0x0], $0xffff;
	[tilespmem:s1+$0x30] =	vst v9  }
0x44: {  	s28 =	simm.s32 $0x0;
	s29 =	simm.s32 $0x75F0;
	v4 =	vld.idx.msk [tilespmem:v8+s2+$0x0], $0xffff;
	[tilespmem:s1+$0xFFFFFFD0] =	vst v10  }
.LBB2_8:
0x45: {  	v6 =	vld [tilespmem:s29+$0x30];
	s28 =	sadd.s32 $0x8, s28;
	[tilespmem:s1+$0xFFFFFFE0] =	vst v5  }
0x46: {  	v5 =	vld [tilespmem:s29+$0xFFFFFFD0];
	p1 =	slt.u32 s28, $0x98;
	[tilespmem:s1+$0xFFFFFFF0] =	vst v3  }
0x47: {  	v3 =	vld [tilespmem:s29+$0xFFFFFFE0];
	[tilespmem:s1+$0x0] =	vst v0  }
0x48: {  	v0 =	vld [tilespmem:s29+$0xFFFFFFF0];
	[tilespmem:s1+$0x10] =	vst v1  }
0x49: {  	v1 =	vld [tilespmem:s29+$0x0];
	[tilespmem:s1+$0x20] =	vst v2  }
0x4a: {  	v2 =	vld [tilespmem:s29+$0x10];
	[tilespmem:s1+$0xFFFFFFC0] =	vst v4  }
0x4b: {  	v4 =	vld [tilespmem:s29+$0x20]  }
0x4c: {  	v7 =	vld [tilespmem:s29+$0xFFFFFFC0]  }
0x4d: {  	v6 =	vld.idx.msk [tilespmem:v6+s2+$0x0], $0xffff  }
0x4e: {  	v8 =	vld.idx.msk [tilespmem:v5+s2+$0x0], $0xffff  }
0x4f: {  	v5 =	vld.idx.msk [tilespmem:v3+s2+$0x0], $0xffff  }
.Ltmp3:
0x50: {  	v3 =	vld.idx.msk [tilespmem:v0+s2+$0x0], $0xffff;
	(pc) =	sbr.rel @p1 .LBB2_8-.Ltmp3, $4  }
0x51: {  	v0 =	vld.idx.msk [tilespmem:v1+s2+$0x0], $0xffff  }
0x52: {  	s1 =	sadd.s32 $0x80, s1;
	v1 =	vld.idx.msk [tilespmem:v2+s2+$0x0], $0xffff  }
0x53: {  	v2 =	vld.idx.msk [tilespmem:v4+s2+$0x0], $0xffff;
	[tilespmem:s1+$0x30] =	vst v6  }
0x54: {  	s29 =	sadd.s32 $0x80, s29;
	v4 =	vld.idx.msk [tilespmem:v7+s2+$0x0], $0xffff;
	[tilespmem:s1+$0xFFFFFFD0] =	vst v8  }
0x55: {  	[tilespmem:s1+$0xFFFFFFE0] =	vst v5  }
0x56: {  	[tilespmem:s1+$0xFFFFFFF0] =	vst v3  }
0x57: {  	[tilespmem:s1+$0x0] =	vst v0  }
0x58: {  	[tilespmem:s1+$0x10] =	vst v1  }
0x59: {  	[tilespmem:s1+$0x20] =	vst v2  }
0x5a: {  	[tilespmem:s1+$0xFFFFFFC0] =	vst v4  }
0x5b: {  	[hbm4b:s13+s2] =	stream.linear.scatter [tilespmem:s23], [sflag:$0x1], $0xA00, $0x38;
	[tilespmem:$0x11530] =	vst v63  }
0x5c: {  	_ =	swait.ge [sflag:s19], $0xA00  }
0x5d: {  	[sflag:s19] =	ssyncset.done $0x0  }
0x5e: {  	[sflag:s19] =	ssyncadd.s32 $0xFFFFF600  }
0x5f: {  	[tilespmem:s22], [sflag:$0x1] =	stream.linear.gather [hbm4b:s14+s2], $0xA00, $0x38;
	[tilespmem:$0x11530] =	vst v63  }
0x60: {  	_ =	swait.ge [sflag:s19], $0xA00  }
0x61: {  	[sflag:s19] =	ssyncset.done $0x0  }
0x62: {  	s1 =	simm.s32 $0x7570;
	[sflag:s19] =	ssyncadd.s32 $0xFFFFF600  }
0x63: {  	v0 =	vld [tilespmem:s1+$0x30]  }
0x64: {  	v1 =	vld [tilespmem:s1+$0xFFFFFFD0]  }
0x65: {  	v2 =	vld [tilespmem:s1+$0xFFFFFFE0]  }
0x66: {  	v3 =	vld [tilespmem:s1+$0xFFFFFFF0]  }
0x67: {  	v4 =	vld [tilespmem:s1+$0x0]  }
0x68: {  	v5 =	vld [tilespmem:s1+$0x10]  }
0x69: {  	v6 =	vld [tilespmem:s1+$0x20]  }
0x6a: {  	v7 =	vld [tilespmem:s1+$0xFFFFFFC0]  }
0x6b: {  	v8 =	vld.idx.msk [tilespmem:v0+s2+$0x0], $0xffff  }
0x6c: {  	v9 =	vld.idx.msk [tilespmem:v1+s2+$0x0], $0xffff  }
0x6d: {  	v10 =	vld.idx.msk [tilespmem:v2+s2+$0x0], $0xffff  }
0x6e: {  	v11 =	vld.idx.msk [tilespmem:v3+s2+$0x0], $0xffff  }
0x6f: {  	v12 =	vld.idx.msk [tilespmem:v4+s2+$0x0], $0xffff  }
0x70: {  	s28 =	simm.s32 $0x9D70;
	v13 =	vld.idx.msk [tilespmem:v5+s2+$0x0], $0xffff  }
0x71: {  	v14 =	vld.idx.msk [tilespmem:v6+s2+$0x0], $0xffff;
	[tilespmem:s28+$0x30] =	vst v8  }
0x72: {  	v56 =	vld.idx.msk [tilespmem:v7+s2+$0x0], $0xffff;
	[tilespmem:s28+$0xFFFFFFD0] =	vst v9  }
0x73: {  	[tilespmem:s28+$0xFFFFFFE0] =	vst v10;
	v8 =	vld.idx.msk [tilespmem:v0+s20+$0x0], $0xffff  }
0x74: {  	[tilespmem:s28+$0xFFFFFFF0] =	vst v11;
	v57 =	vld.idx.msk [tilespmem:v1+s20+$0x0], $0xffff  }
0x75: {  	[tilespmem:s28+$0x0] =	vst v12;
	v58 =	vld.idx.msk [tilespmem:v2+s20+$0x0], $0xffff  }
0x76: {  	[tilespmem:s28+$0x10] =	vst v13;
	v59 =	vld.idx.msk [tilespmem:v3+s20+$0x0], $0xffff  }
0x77: {  	[tilespmem:s28+$0x20] =	vst v14;
	v60 =	vld.idx.msk [tilespmem:v4+s20+$0x0], $0xffff  }
0x78: {  	s29 =	simm.s32 $0xC570;
	[tilespmem:s28+$0xFFFFFFC0] =	vst v56;
	v61 =	vld.idx.msk [tilespmem:v5+s20+$0x0], $0xffff  }
0x79: {  	v9 =	vld.idx.msk [tilespmem:v7+s20+$0x0], $0xffff;
	[tilespmem:s29+$0x30] =	vst v8  }
0x7a: {  	v62 =	vld.idx.msk [tilespmem:v6+s20+$0x0], $0xffff;
	[tilespmem:s29+$0xFFFFFFD0] =	vst v57  }
0x7b: {  	[tilespmem:s29+$0xFFFFFFE0] =	vst v58;
	v8 =	vld.idx.msk [tilespmem:v0+s21+$0x0], $0xffff  }
0x7c: {  	[tilespmem:s29+$0xFFFFFFF0] =	vst v59;
	v63 =	vld.idx.msk [tilespmem:v1+s21+$0x0], $0xffff  }
0x7d: {  	[tilespmem:s29+$0x0] =	vst v60;
	v0 =	vld.idx.msk [tilespmem:v2+s21+$0x0], $0xffff  }
0x7e: {  	[tilespmem:s29+$0x10] =	vst v61;
	v1 =	vld.idx.msk [tilespmem:v3+s21+$0x0], $0xffff  }
0x7f: {  	[tilespmem:s29+$0xFFFFFFC0] =	vst v9;
	v2 =	vld.idx.msk [tilespmem:v4+s21+$0x0], $0xffff  }
0x80: {  	s30 =	simm.s32 $0xED70;
	[tilespmem:s29+$0x20] =	vst v62;
	v4 =	vld.idx.msk [tilespmem:v5+s21+$0x0], $0xffff  }
0x81: {  	v3 =	vld.idx.msk [tilespmem:v7+s21+$0x0], $0xffff;
	[tilespmem:s30+$0x30] =	vst v8  }
0x82: {  	s31 =	simm.s32 $0x0;
	s1 =	simm.s32 $0x75F0;
	v5 =	vld.idx.msk [tilespmem:v6+s21+$0x0], $0xffff;
	[tilespmem:s30+$0xFFFFFFD0] =	vst v63  }
.LBB2_10:
0x83: {  	v6 =	vld [tilespmem:s1+$0x30];
	s31 =	sadd.s32 $0x8, s31;
	[tilespmem:s30+$0xFFFFFFE0] =	vst v0  }
0x84: {  	v0 =	vld [tilespmem:s1+$0xFFFFFFD0];
	p1 =	slt.u32 s31, $0x98;
	[tilespmem:s30+$0xFFFFFFF0] =	vst v1  }
0x85: {  	v1 =	vld [tilespmem:s1+$0xFFFFFFE0];
	[tilespmem:s30+$0x0] =	vst v2  }
0x86: {  	v2 =	vld [tilespmem:s1+$0xFFFFFFF0];
	[tilespmem:s30+$0x10] =	vst v4  }
0x87: {  	v4 =	vld [tilespmem:s1+$0x0];
	[tilespmem:s30+$0xFFFFFFC0] =	vst v3  }
0x88: {  	v3 =	vld [tilespmem:s1+$0x10];
	[tilespmem:s30+$0x20] =	vst v5  }
0x89: {  	v5 =	vld [tilespmem:s1+$0x20]  }
0x8a: {  	v7 =	vld [tilespmem:s1+$0xFFFFFFC0]  }
0x8b: {  	v8 =	vld.idx.msk [tilespmem:v6+s2+$0x0], $0xffff  }
0x8c: {  	v9 =	vld.idx.msk [tilespmem:v0+s2+$0x0], $0xffff  }
0x8d: {  	v10 =	vld.idx.msk [tilespmem:v1+s2+$0x0], $0xffff  }
0x8e: {  	v11 =	vld.idx.msk [tilespmem:v2+s2+$0x0], $0xffff  }
0x8f: {  	v12 =	vld.idx.msk [tilespmem:v4+s2+$0x0], $0xffff  }
0x90: {  	s28 =	sadd.s32 $0x80, s28;
	v13 =	vld.idx.msk [tilespmem:v3+s2+$0x0], $0xffff  }
0x91: {  	v14 =	vld.idx.msk [tilespmem:v5+s2+$0x0], $0xffff;
	[tilespmem:s28+$0x30] =	vst v8  }
0x92: {  	[tilespmem:s28+$0xFFFFFFD0] =	vst v9;
	v8 =	vld.idx.msk [tilespmem:v6+s20+$0x0], $0xffff  }
0x93: {  	v9 =	vld.idx.msk [tilespmem:v7+s2+$0x0], $0xffff;
	[tilespmem:s28+$0xFFFFFFE0] =	vst v10  }
0x94: {  	v10 =	vld.idx.msk [tilespmem:v0+s20+$0x0], $0xffff;
	[tilespmem:s28+$0xFFFFFFF0] =	vst v11  }
0x95: {  	v11 =	vld.idx.msk [tilespmem:v1+s20+$0x0], $0xffff;
	[tilespmem:s28+$0x0] =	vst v12  }
0x96: {  	v12 =	vld.idx.msk [tilespmem:v2+s20+$0x0], $0xffff;
	[tilespmem:s28+$0x10] =	vst v13  }
0x97: {  	s29 =	sadd.s32 $0x80, s29;
	v13 =	vld.idx.msk [tilespmem:v4+s20+$0x0], $0xffff;
	[tilespmem:s28+$0x20] =	vst v14  }
0x98: {  	v14 =	vld.idx.msk [tilespmem:v3+s20+$0x0], $0xffff;
	[tilespmem:s29+$0x30] =	vst v8  }
0x99: {  	[tilespmem:s28+$0xFFFFFFC0] =	vst v9;
	v6 =	vld.idx.msk [tilespmem:v6+s21+$0x0], $0xffff  }
0x9a: {  	v8 =	vld.idx.msk [tilespmem:v7+s20+$0x0], $0xffff;
	[tilespmem:s29+$0xFFFFFFD0] =	vst v10  }
0x9b: {  	[tilespmem:s29+$0xFFFFFFE0] =	vst v11;
	v9 =	vld.idx.msk [tilespmem:v5+s20+$0x0], $0xffff  }
0x9c: {  	v10 =	vld.idx.msk [tilespmem:v0+s21+$0x0], $0xffff;
	[tilespmem:s29+$0xFFFFFFF0] =	vst v12  }
0x9d: {  	v0 =	vld.idx.msk [tilespmem:v1+s21+$0x0], $0xffff;
	[tilespmem:s29+$0x0] =	vst v13  }
.Ltmp4:
0x9e: {  	s30 =	sadd.s32 $0x80, s30;
	v1 =	vld.idx.msk [tilespmem:v2+s21+$0x0], $0xffff;
	[tilespmem:s29+$0x10] =	vst v14;
	(pc) =	sbr.rel @p1 .LBB2_10-.Ltmp4, $4  }
0x9f: {  	v2 =	vld.idx.msk [tilespmem:v4+s21+$0x0], $0xffff;
	[tilespmem:s30+$0x30] =	vst v6  }
0xa0: {  	[tilespmem:s29+$0xFFFFFFC0] =	vst v8;
	v4 =	vld.idx.msk [tilespmem:v3+s21+$0x0], $0xffff  }
0xa1: {  	v3 =	vld.idx.msk [tilespmem:v7+s21+$0x0], $0xffff;
	[tilespmem:s29+$0x20] =	vst v9  }
0xa2: {  	s1 =	sadd.s32 $0x80, s1;
	[tilespmem:s30+$0xFFFFFFD0] =	vst v10;
	v5 =	vld.idx.msk [tilespmem:v5+s21+$0x0], $0xffff  }
.Ltmp5:
0xa3: {  	_ = 	snop;
	(pc) =	sbr.rel .LBB2_11-.Ltmp5, $1  }
0xa4: {  	_ =	sdelay $0x3  }
.LBB2_2:
0xa5: {  	[tilespmem:s22], [sflag:$0x1] =	stream.linear.gather [hbm4b:s6+s2], $0x2800, $0x38;
	[tilespmem:$0x11530] =	vst v63  }
0xa6: {  	_ =	swait.ge [sflag:s19], $0x2800  }
0xa7: {  	[sflag:s19] =	ssyncset.done $0x0  }
0xa8: {  	s1 =	simm.s32 $0x7570;
	[sflag:s19] =	ssyncadd.s32 $0xFFFFD800  }
0xa9: {  	v0 =	vld [tilespmem:s1+$0x30]  }
0xaa: {  	v1 =	vld [tilespmem:s1+$0xFFFFFFD0]  }
0xab: {  	v2 =	vld [tilespmem:s1+$0xFFFFFFE0]  }
0xac: {  	v3 =	vld [tilespmem:s1+$0xFFFFFFF0]  }
0xad: {  	v4 =	vld [tilespmem:s1+$0x0]  }
0xae: {  	v6 =	vld [tilespmem:s1+$0x10]  }
0xaf: {  	v7 =	vld [tilespmem:s1+$0x20]  }
0xb0: {  	v8 =	vld [tilespmem:s1+$0xFFFFFFC0]  }
0xb1: {  	v9 =	vld.idx.msk [tilespmem:v0+s2+$0x0], $0xffff  }
0xb2: {  	v10 =	vld.idx.msk [tilespmem:v1+s2+$0x0], $0xffff  }
0xb3: {  	v5 =	vld.idx.msk [tilespmem:v2+s2+$0x0], $0xffff  }
0xb4: {  	v3 =	vld.idx.msk [tilespmem:v3+s2+$0x0], $0xffff  }
0xb5: {  	v0 =	vld.idx.msk [tilespmem:v4+s2+$0x0], $0xffff  }
0xb6: {  	s1 =	simm.s32 $0x9D70;
	v1 =	vld.idx.msk [tilespmem:v6+s2+$0x0], $0xffff  }
0xb7: {  	v2 =	vld.idx.msk [tilespmem:v7+s2+$0x0], $0xffff;
	[tilespmem:s1+$0x30] =	vst v9  }
0xb8: {  	s28 =	simm.s32 $0x0;
	s29 =	simm.s32 $0x75F0;
	v4 =	vld.idx.msk [tilespmem:v8+s2+$0x0], $0xffff;
	[tilespmem:s1+$0xFFFFFFD0] =	vst v10  }
.LBB2_3:
0xb9: {  	v6 =	vld [tilespmem:s29+$0x30];
	s28 =	sadd.s32 $0x8, s28;
	[tilespmem:s1+$0xFFFFFFE0] =	vst v5  }
0xba: {  	v5 =	vld [tilespmem:s29+$0xFFFFFFD0];
	p1 =	slt.u32 s28, $0x278;
	[tilespmem:s1+$0xFFFFFFF0] =	vst v3  }
0xbb: {  	v3 =	vld [tilespmem:s29+$0xFFFFFFE0];
	[tilespmem:s1+$0x0] =	vst v0  }
0xbc: {  	v0 =	vld [tilespmem:s29+$0xFFFFFFF0];
	[tilespmem:s1+$0x10] =	vst v1  }
0xbd: {  	v1 =	vld [tilespmem:s29+$0x0];
	[tilespmem:s1+$0x20] =	vst v2  }
0xbe: {  	v2 =	vld [tilespmem:s29+$0x10];
	[tilespmem:s1+$0xFFFFFFC0] =	vst v4  }
0xbf: {  	v4 =	vld [tilespmem:s29+$0x20]  }
0xc0: {  	v7 =	vld [tilespmem:s29+$0xFFFFFFC0]  }
0xc1: {  	v6 =	vld.idx.msk [tilespmem:v6+s2+$0x0], $0xffff  }
0xc2: {  	v8 =	vld.idx.msk [tilespmem:v5+s2+$0x0], $0xffff  }
0xc3: {  	v5 =	vld.idx.msk [tilespmem:v3+s2+$0x0], $0xffff  }
.Ltmp6:
0xc4: {  	v3 =	vld.idx.msk [tilespmem:v0+s2+$0x0], $0xffff;
	(pc) =	sbr.rel @p1 .LBB2_3-.Ltmp6, $4  }
0xc5: {  	v0 =	vld.idx.msk [tilespmem:v1+s2+$0x0], $0xffff  }
0xc6: {  	s1 =	sadd.s32 $0x80, s1;
	v1 =	vld.idx.msk [tilespmem:v2+s2+$0x0], $0xffff  }
0xc7: {  	v2 =	vld.idx.msk [tilespmem:v4+s2+$0x0], $0xffff;
	[tilespmem:s1+$0x30] =	vst v6  }
0xc8: {  	s29 =	sadd.s32 $0x80, s29;
	v4 =	vld.idx.msk [tilespmem:v7+s2+$0x0], $0xffff;
	[tilespmem:s1+$0xFFFFFFD0] =	vst v8  }
0xc9: {  	[tilespmem:s1+$0xFFFFFFE0] =	vst v5  }
0xca: {  	[tilespmem:s1+$0xFFFFFFF0] =	vst v3  }
0xcb: {  	[tilespmem:s1+$0x0] =	vst v0  }
0xcc: {  	[tilespmem:s1+$0x10] =	vst v1  }
0xcd: {  	[tilespmem:s1+$0x20] =	vst v2  }
0xce: {  	[tilespmem:s1+$0xFFFFFFC0] =	vst v4  }
0xcf: {  	[hbm4b:s7+s2] =	stream.linear.scatter [tilespmem:s23], [sflag:$0x1], $0x2800, $0x38;
	[tilespmem:$0x11530] =	vst v63  }
0xd0: {  	_ =	swait.ge [sflag:s19], $0x2800  }
0xd1: {  	[sflag:s19] =	ssyncset.done $0x0  }
0xd2: {  	[sflag:s19] =	ssyncadd.s32 $0xFFFFD800  }
0xd3: {  	[tilespmem:s22], [sflag:$0x1] =	stream.linear.gather [hbm4b:s8+s2], $0x2800, $0x38;
	[tilespmem:$0x11530] =	vst v63  }
0xd4: {  	_ =	swait.ge [sflag:s19], $0x2800  }
0xd5: {  	[sflag:s19] =	ssyncset.done $0x0  }
0xd6: {  	s1 =	simm.s32 $0x7570;
	[sflag:s19] =	ssyncadd.s32 $0xFFFFD800  }
0xd7: {  	v0 =	vld [tilespmem:s1+$0x30]  }
0xd8: {  	v1 =	vld [tilespmem:s1+$0xFFFFFFD0]  }
0xd9: {  	v2 =	vld [tilespmem:s1+$0xFFFFFFE0]  }
0xda: {  	v3 =	vld [tilespmem:s1+$0xFFFFFFF0]  }
0xdb: {  	v4 =	vld [tilespmem:s1+$0x0]  }
0xdc: {  	v5 =	vld [tilespmem:s1+$0x10]  }
0xdd: {  	v6 =	vld [tilespmem:s1+$0x20]  }
0xde: {  	v7 =	vld [tilespmem:s1+$0xFFFFFFC0]  }
0xdf: {  	v8 =	vld.idx.msk [tilespmem:v0+s2+$0x0], $0xffff  }
0xe0: {  	v9 =	vld.idx.msk [tilespmem:v1+s2+$0x0], $0xffff  }
0xe1: {  	v10 =	vld.idx.msk [tilespmem:v2+s2+$0x0], $0xffff  }
0xe2: {  	v11 =	vld.idx.msk [tilespmem:v3+s2+$0x0], $0xffff  }
0xe3: {  	v12 =	vld.idx.msk [tilespmem:v4+s2+$0x0], $0xffff  }
0xe4: {  	s28 =	simm.s32 $0x9D70;
	v13 =	vld.idx.msk [tilespmem:v5+s2+$0x0], $0xffff  }
0xe5: {  	v14 =	vld.idx.msk [tilespmem:v6+s2+$0x0], $0xffff;
	[tilespmem:s28+$0x30] =	vst v8  }
0xe6: {  	v56 =	vld.idx.msk [tilespmem:v7+s2+$0x0], $0xffff;
	[tilespmem:s28+$0xFFFFFFD0] =	vst v9  }
0xe7: {  	[tilespmem:s28+$0xFFFFFFE0] =	vst v10;
	v8 =	vld.idx.msk [tilespmem:v0+s20+$0x0], $0xffff  }
0xe8: {  	[tilespmem:s28+$0xFFFFFFF0] =	vst v11;
	v57 =	vld.idx.msk [tilespmem:v1+s20+$0x0], $0xffff  }
0xe9: {  	[tilespmem:s28+$0x0] =	vst v12;
	v58 =	vld.idx.msk [tilespmem:v2+s20+$0x0], $0xffff  }
0xea: {  	[tilespmem:s28+$0x10] =	vst v13;
	v59 =	vld.idx.msk [tilespmem:v3+s20+$0x0], $0xffff  }
0xeb: {  	[tilespmem:s28+$0x20] =	vst v14;
	v60 =	vld.idx.msk [tilespmem:v4+s20+$0x0], $0xffff  }
0xec: {  	s29 =	simm.s32 $0xC570;
	[tilespmem:s28+$0xFFFFFFC0] =	vst v56;
	v61 =	vld.idx.msk [tilespmem:v5+s20+$0x0], $0xffff  }
0xed: {  	v9 =	vld.idx.msk [tilespmem:v7+s20+$0x0], $0xffff;
	[tilespmem:s29+$0x30] =	vst v8  }
0xee: {  	v62 =	vld.idx.msk [tilespmem:v6+s20+$0x0], $0xffff;
	[tilespmem:s29+$0xFFFFFFD0] =	vst v57  }
0xef: {  	[tilespmem:s29+$0xFFFFFFE0] =	vst v58;
	v8 =	vld.idx.msk [tilespmem:v0+s21+$0x0], $0xffff  }
0xf0: {  	[tilespmem:s29+$0xFFFFFFF0] =	vst v59;
	v63 =	vld.idx.msk [tilespmem:v1+s21+$0x0], $0xffff  }
0xf1: {  	[tilespmem:s29+$0x0] =	vst v60;
	v0 =	vld.idx.msk [tilespmem:v2+s21+$0x0], $0xffff  }
0xf2: {  	[tilespmem:s29+$0x10] =	vst v61;
	v1 =	vld.idx.msk [tilespmem:v3+s21+$0x0], $0xffff  }
0xf3: {  	[tilespmem:s29+$0xFFFFFFC0] =	vst v9;
	v2 =	vld.idx.msk [tilespmem:v4+s21+$0x0], $0xffff  }
0xf4: {  	s30 =	simm.s32 $0xED70;
	[tilespmem:s29+$0x20] =	vst v62;
	v4 =	vld.idx.msk [tilespmem:v5+s21+$0x0], $0xffff  }
0xf5: {  	v3 =	vld.idx.msk [tilespmem:v7+s21+$0x0], $0xffff;
	[tilespmem:s30+$0x30] =	vst v8  }
0xf6: {  	s31 =	simm.s32 $0x0;
	s1 =	simm.s32 $0x75F0;
	v5 =	vld.idx.msk [tilespmem:v6+s21+$0x0], $0xffff;
	[tilespmem:s30+$0xFFFFFFD0] =	vst v63  }
.LBB2_5:
0xf7: {  	v6 =	vld [tilespmem:s1+$0x30];
	s31 =	sadd.s32 $0x8, s31;
	[tilespmem:s30+$0xFFFFFFE0] =	vst v0  }
0xf8: {  	v0 =	vld [tilespmem:s1+$0xFFFFFFD0];
	p1 =	slt.u32 s31, $0x278;
	[tilespmem:s30+$0xFFFFFFF0] =	vst v1  }
0xf9: {  	v1 =	vld [tilespmem:s1+$0xFFFFFFE0];
	[tilespmem:s30+$0x0] =	vst v2  }
0xfa: {  	v2 =	vld [tilespmem:s1+$0xFFFFFFF0];
	[tilespmem:s30+$0x10] =	vst v4  }
0xfb: {  	v4 =	vld [tilespmem:s1+$0x0];
	[tilespmem:s30+$0xFFFFFFC0] =	vst v3  }
0xfc: {  	v3 =	vld [tilespmem:s1+$0x10];
	[tilespmem:s30+$0x20] =	vst v5  }
0xfd: {  	v5 =	vld [tilespmem:s1+$0x20]  }
0xfe: {  	v7 =	vld [tilespmem:s1+$0xFFFFFFC0]  }
0xff: {  	v8 =	vld.idx.msk [tilespmem:v6+s2+$0x0], $0xffff  }
0x100: {  	v9 =	vld.idx.msk [tilespmem:v0+s2+$0x0], $0xffff  }
0x101: {  	v10 =	vld.idx.msk [tilespmem:v1+s2+$0x0], $0xffff  }
0x102: {  	v11 =	vld.idx.msk [tilespmem:v2+s2+$0x0], $0xffff  }
0x103: {  	v12 =	vld.idx.msk [tilespmem:v4+s2+$0x0], $0xffff  }
0x104: {  	s28 =	sadd.s32 $0x80, s28;
	v13 =	vld.idx.msk [tilespmem:v3+s2+$0x0], $0xffff  }
0x105: {  	v14 =	vld.idx.msk [tilespmem:v5+s2+$0x0], $0xffff;
	[tilespmem:s28+$0x30] =	vst v8  }
0x106: {  	[tilespmem:s28+$0xFFFFFFD0] =	vst v9;
	v8 =	vld.idx.msk [tilespmem:v6+s20+$0x0], $0xffff  }
0x107: {  	v9 =	vld.idx.msk [tilespmem:v7+s2+$0x0], $0xffff;
	[tilespmem:s28+$0xFFFFFFE0] =	vst v10  }
0x108: {  	v10 =	vld.idx.msk [tilespmem:v0+s20+$0x0], $0xffff;
	[tilespmem:s28+$0xFFFFFFF0] =	vst v11  }
0x109: {  	v11 =	vld.idx.msk [tilespmem:v1+s20+$0x0], $0xffff;
	[tilespmem:s28+$0x0] =	vst v12  }
0x10a: {  	v12 =	vld.idx.msk [tilespmem:v2+s20+$0x0], $0xffff;
	[tilespmem:s28+$0x10] =	vst v13  }
0x10b: {  	s29 =	sadd.s32 $0x80, s29;
	v13 =	vld.idx.msk [tilespmem:v4+s20+$0x0], $0xffff;
	[tilespmem:s28+$0x20] =	vst v14  }
0x10c: {  	v14 =	vld.idx.msk [tilespmem:v3+s20+$0x0], $0xffff;
	[tilespmem:s29+$0x30] =	vst v8  }
0x10d: {  	[tilespmem:s28+$0xFFFFFFC0] =	vst v9;
	v6 =	vld.idx.msk [tilespmem:v6+s21+$0x0], $0xffff  }
0x10e: {  	v8 =	vld.idx.msk [tilespmem:v7+s20+$0x0], $0xffff;
	[tilespmem:s29+$0xFFFFFFD0] =	vst v10  }
0x10f: {  	[tilespmem:s29+$0xFFFFFFE0] =	vst v11;
	v9 =	vld.idx.msk [tilespmem:v5+s20+$0x0], $0xffff  }
0x110: {  	v10 =	vld.idx.msk [tilespmem:v0+s21+$0x0], $0xffff;
	[tilespmem:s29+$0xFFFFFFF0] =	vst v12  }
0x111: {  	v0 =	vld.idx.msk [tilespmem:v1+s21+$0x0], $0xffff;
	[tilespmem:s29+$0x0] =	vst v13  }
.Ltmp7:
0x112: {  	s30 =	sadd.s32 $0x80, s30;
	v1 =	vld.idx.msk [tilespmem:v2+s21+$0x0], $0xffff;
	[tilespmem:s29+$0x10] =	vst v14;
	(pc) =	sbr.rel @p1 .LBB2_5-.Ltmp7, $4  }
0x113: {  	v2 =	vld.idx.msk [tilespmem:v4+s21+$0x0], $0xffff;
	[tilespmem:s30+$0x30] =	vst v6  }
0x114: {  	[tilespmem:s29+$0xFFFFFFC0] =	vst v8;
	v4 =	vld.idx.msk [tilespmem:v3+s21+$0x0], $0xffff  }
0x115: {  	v3 =	vld.idx.msk [tilespmem:v7+s21+$0x0], $0xffff;
	[tilespmem:s29+$0x20] =	vst v9  }
0x116: {  	s1 =	sadd.s32 $0x80, s1;
	[tilespmem:s30+$0xFFFFFFD0] =	vst v10;
	v5 =	vld.idx.msk [tilespmem:v5+s21+$0x0], $0xffff  }
0x117: {  	[tilespmem:s30+$0xFFFFFFE0] =	vst v0  }
0x118: {  	[tilespmem:s30+$0xFFFFFFF0] =	vst v1  }
0x119: {  	[tilespmem:s30+$0x0] =	vst v2  }
0x11a: {  	[tilespmem:s30+$0x10] =	vst v4  }
0x11b: {  	[tilespmem:s30+$0xFFFFFFC0] =	vst v3  }
0x11c: {  	[tilespmem:s30+$0x20] =	vst v5  }
0x11d: {  	[hbm4b:s9+s2] =	stream.linear.scatter [tilespmem:s23], [sflag:$0x1], $0x2800, $0x38;
	[tilespmem:$0x11530] =	vst v63  }
0x11e: {  	_ =	swait.ge [sflag:s19], $0x2800  }
0x11f: {  	[sflag:s19] =	ssyncset.done $0x0  }
0x120: {  	[sflag:s19] =	ssyncadd.s32 $0xFFFFD800  }
0x121: {  	[hbm4b:s10+s2] =	stream.linear.scatter [tilespmem:s24], [sflag:$0x1], $0x2800, $0x38;
	[tilespmem:$0x11530] =	vst v63  }
0x122: {  	_ =	swait.ge [sflag:s19], $0x2800  }
0x123: {  	[sflag:s19] =	ssyncset.done $0x0  }
.Ltmp8:
0x124: {  	[sflag:s19] =	ssyncadd.s32 $0xFFFFD800;
	(pc) =	sbr.rel .LBB2_12-.Ltmp8, $4  }
0x125: {  	[hbm4b:s11+s2] =	stream.linear.scatter [tilespmem:s25], [sflag:$0x1], $0x2800, $0x38;
	[tilespmem:$0x11530] =	vst v63  }
0x126: {  	_ =	swait.ge [sflag:s19], $0x2800  }
0x127: {  	[sflag:s19] =	ssyncset.done $0x0  }
0x128: {  	[sflag:s19] =	ssyncadd.s32 $0xFFFFD800  }
.LBB2_13:
0x129: {  	_ =	sfence.sel $0x180000  }
0x12a: {  	[bflag:$0x0] =	sbarrier.arrive $0xFFFF  }
0x12b: {  	_ =	strace $0x90000047  }
0x12c: {  	[bflag:$0x2] =	sbarrier.arrive $0xFFFF  }
0x12d: {  	p0 =	sne.s32 s0, $0x0;
	s0 =	rddreg [dreg:$0x1]  }
0x12e: {  	s0 =	sadd.s32 @!p0 $0x100000, s0  }
0x12f: {  	[sflag:s0] =	ssyncadd.tile.s32 @!p0 $0x1;
	_ =	shalt  }
.Lfunc_end2:
_tile_overlayer_lowered:
.L_overlay_start_2:
0x130: {  	(tag) =	ssettag $0x2  }
0x131: {  	s0 =	rddreg [dreg:$0x0];
	s2 =	stileid.u32  }
0x132: {  	s1 =	rddreg [dreg:$0x1];
	p0 =	sne.s32 s2, $0x0  }
0x133: {  	s3 =	rddreg [dreg:$0x2];
	[bflag:$0x3] =	sbarrier.arrive $0xFFFF;
	s2 =	simm.s32 @!p0 $0x1C01  }
0x134: {  	[timem:s3], [sflag:s2] =	dma.local @!p0 [hbm:s0], s1  }
0x135: {  	s0 =	simm.s32 @!p0 $0x1  }
0x136: {  	_ =	swait.ge @!p0 [sflag:s0], s1  }
0x137: {  	s1 =	ssub.s32 @!p0 $0x0, s1;
	[sflag:s0] =	ssyncset.done @!p0 $0x0  }
0x138: {  	[sflag:s0] =	ssyncadd.s32 @!p0 s1  }
0x139: {  	[bflag:$0x3] =	sbarrier.arrive $0xFFFF  }
0x13a: {  	_ =	shalt  }

</sc_bundles>
